<compile_context>
chip_gen: v7x
topology: tpu7x:2x2x1
jax: 0.10.2.dev20260603
libtpu: 0.0.44.dev20260713+nightly
codegen_flags: <defaults>
</compile_context>

<pallas_src>
import functools

import jax
import jax.numpy as jnp
from jax import lax
from jax.experimental import pallas as pl
from jax.experimental.pallas import tpu as pltpu
from jax.experimental.pallas import tpu_sc as plsc

B, C, N = 8, 512, 16384
NPOINT = 4096
NC, NS, L = 2, 16, 16
NW = NC * NS
ROWS = B * C
ROWS_PER_W = ROWS // NW
VPR = NPOINT // L
UNROLL = 8

NB = 6


def _gather_kernel(feat_hbm, idx_hbm, out_hbm, idx_v, *bufs):
    row_bufs = bufs[0:NB]
    out_bufs = bufs[NB:2 * NB]
    row_sems = bufs[2 * NB:3 * NB]
    out_sems = bufs[3 * NB:4 * NB]

    wid = lax.axis_index("s") * NC + lax.axis_index("c")
    b = wid // (NW // B)
    row0 = wid * ROWS_PER_W

    pltpu.sync_copy(idx_hbm.at[b], idx_v)

    for k in range(NB):
        pltpu.async_copy(feat_hbm.at[row0 + k], row_bufs[k], row_sems[k])

    def ring_body(i2, _):
        for pp in range(NB // 2):
            k0, k1 = 2 * pp, 2 * pp + 1
            i = i2 * NB + 2 * pp
            r = row0 + i
            pltpu.make_async_copy(feat_hbm.at[r], row_bufs[k0],
                                  row_sems[k0]).wait()
            pltpu.make_async_copy(feat_hbm.at[r + 1], row_bufs[k1],
                                  row_sems[k1]).wait()

            @pl.when(i2 > 0)
            def _():
                pltpu.make_async_copy(out_bufs[k0], out_hbm.at[r - NB],
                                      out_sems[k0]).wait()
                pltpu.make_async_copy(out_bufs[k1], out_hbm.at[r + 1 - NB],
                                      out_sems[k1]).wait()

            @plsc.parallel_loop(0, NPOINT, L, unroll=UNROLL)
            def _(off):
                iv = idx_v[pl.ds(off, L)]
                out_bufs[k0][pl.ds(off, L)] = plsc.load_gather(
                    row_bufs[k0], [iv])
                out_bufs[k1][pl.ds(off, L)] = plsc.load_gather(
                    row_bufs[k1], [iv])

            pltpu.async_copy(out_bufs[k0], out_hbm.at[r], out_sems[k0])
            pltpu.async_copy(out_bufs[k1], out_hbm.at[r + 1], out_sems[k1])

            @pl.when(i + NB < ROWS_PER_W)
            def _():
                pltpu.async_copy(feat_hbm.at[r + NB], row_bufs[k0],
                                 row_sems[k0])
                pltpu.async_copy(feat_hbm.at[r + 1 + NB], row_bufs[k1],
                                 row_sems[k1])
        return 0

    lax.fori_loop(0, ROWS_PER_W // NB, ring_body, 0)

    done = (ROWS_PER_W // NB) * NB
    for t in range(done, ROWS_PER_W):
        k = t % NB
        r = row0 + t
        pltpu.make_async_copy(feat_hbm.at[r], row_bufs[k], row_sems[k]).wait()
        pltpu.make_async_copy(out_bufs[k], out_hbm.at[r - NB],
                              out_sems[k]).wait()

        @plsc.parallel_loop(0, NPOINT, L, unroll=UNROLL)
        def _(off):
            iv = idx_v[pl.ds(off, L)]
            out_bufs[k][pl.ds(off, L)] = plsc.load_gather(row_bufs[k], [iv])
        pltpu.async_copy(out_bufs[k], out_hbm.at[r], out_sems[k])

    for k in range(NB):
        t = ROWS_PER_W - NB + k
        pltpu.make_async_copy(out_bufs[t % NB], out_hbm.at[row0 + t],
                              out_sems[t % NB]).wait()


@jax.jit
def _run(feat2d, idx2d):
    mesh = plsc.VectorSubcoreMesh(core_axis_name="c", subcore_axis_name="s")
    f = functools.partial(
        pl.kernel,
        mesh=mesh,
        compiler_params=pltpu.CompilerParams(needs_layout_passes=False),
        out_type=jax.ShapeDtypeStruct((ROWS, NPOINT), jnp.float32),
        scratch_types=[
            pltpu.VMEM((NPOINT,), jnp.int32),
            *[pltpu.VMEM((N,), jnp.float32) for _ in range(NB)],
            *[pltpu.VMEM((NPOINT,), jnp.float32) for _ in range(NB)],
            *[pltpu.SemaphoreType.DMA for _ in range(2 * NB)],
        ],
    )(_gather_kernel)
    return f(feat2d, idx2d)


def kernel(features, idx):
    feat2d = features.reshape(ROWS, N)
    idx2d = idx.astype(jnp.int32)
    out = _run(feat2d, idx2d)
    return out.reshape(B, C, NPOINT)

# --- scband reference (transcript-rebuilt; emitter-appended) ---
"""Pipeline reference for scband-gather-operation-66563403153932 (READ-ONLY COPY).

The authoritative reference and input builder live on the scoring server;
editing this copy changes nothing except your own understanding.
"""

import jax, jax.numpy as jnp
import numpy as np


def setup_inputs(seed: int = 0) -> dict:
    key = jax.random.key(seed)
    k1, k2 = jax.random.split(key)
    features = jax.random.normal(k1, (8, 512, 16384), dtype=jnp.float32)
    idx = jax.random.randint(k2, (8, 4096), 0, 16384, dtype=jnp.int64)
    return {"features": features, "idx": idx}


def reference(features, idx):
    # features: (B, C, N), idx: (B, npoint) -> out: (B, C, npoint)
    B, C, N = features.shape
    npoint = idx.shape[1]
    idx_exp = jnp.broadcast_to(idx[:, None, :], (B, C, npoint))
    out = jnp.take_along_axis(features, idx_exp, axis=2)
    return out

if __name__ == "__main__":
    import jax
    _d = setup_inputs()
    print(jax.jit(kernel)(*tuple(_d.values())))

</pallas_src>

<mosaic_0001>
#map = affine_map<(d0, d1) -> (0, 0)>
module attributes {stable_mosaic.version = 14 : i64} {
  func.func @_gather_kernel(%arg0: i32, %arg1: i32, %arg2: memref<4096x16384xf32, #tpu.memory_space<hbm>>, %arg3: memref<8x4096xi32, #tpu.memory_space<hbm>>, %arg4: memref<4096x4096xf32, #tpu.memory_space<hbm>>, %arg5: memref<4096xi32, #tpu.memory_space<vmem>>, %arg6: memref<16384xf32, #tpu.memory_space<vmem>>, %arg7: memref<16384xf32, #tpu.memory_space<vmem>>, %arg8: memref<16384xf32, #tpu.memory_space<vmem>>, %arg9: memref<16384xf32, #tpu.memory_space<vmem>>, %arg10: memref<16384xf32, #tpu.memory_space<vmem>>, %arg11: memref<16384xf32, #tpu.memory_space<vmem>>, %arg12: memref<4096xf32, #tpu.memory_space<vmem>>, %arg13: memref<4096xf32, #tpu.memory_space<vmem>>, %arg14: memref<4096xf32, #tpu.memory_space<vmem>>, %arg15: memref<4096xf32, #tpu.memory_space<vmem>>, %arg16: memref<4096xf32, #tpu.memory_space<vmem>>, %arg17: memref<4096xf32, #tpu.memory_space<vmem>>, %arg18: memref<!tpu.dma_semaphore, #tpu.memory_space<semaphore_mem>>, %arg19: memref<!tpu.dma_semaphore, #tpu.memory_space<semaphore_mem>>, %arg20: memref<!tpu.dma_semaphore, #tpu.memory_space<semaphore_mem>>, %arg21: memref<!tpu.dma_semaphore, #tpu.memory_space<semaphore_mem>>, %arg22: memref<!tpu.dma_semaphore, #tpu.memory_space<semaphore_mem>>, %arg23: memref<!tpu.dma_semaphore, #tpu.memory_space<semaphore_mem>>, %arg24: memref<!tpu.dma_semaphore, #tpu.memory_space<semaphore_mem>>, %arg25: memref<!tpu.dma_semaphore, #tpu.memory_space<semaphore_mem>>, %arg26: memref<!tpu.dma_semaphore, #tpu.memory_space<semaphore_mem>>, %arg27: memref<!tpu.dma_semaphore, #tpu.memory_space<semaphore_mem>>, %arg28: memref<!tpu.dma_semaphore, #tpu.memory_space<semaphore_mem>>, %arg29: memref<!tpu.dma_semaphore, #tpu.memory_space<semaphore_mem>>) attributes {dimension_semantics = [#tpu.dimension_semantics<core_parallel>, #tpu.dimension_semantics<subcore_parallel>], iteration_bounds = array<i64: 2, 16>, scalar_prefetch = 0 : i64, scratch_operands = 25 : i64, tpu.core_type = #tpu.core_type<sc_vector_subcore>, window_params = [{transform_indices = #map}, {transform_indices = #map}, {transform_indices = #map}]} {
    %mul3A = arith.constant 2 : i32
    %mul3A_0 = arith.muli %arg1, %mul3A : i32
    %add3A = arith.addi %mul3A_0, %arg0 : i32
    %jit3A = arith.constant 4 : i32
    %div3A = arith.divsi %add3A, %jit3A : i32
    %sign3A = arith.constant 0 : i32
    %sign3A_1 = arith.cmpi sgt, %add3A, %sign3A : i32
    %sign3A_2 = arith.extui %sign3A_1 : i1 to i32
    %sign3A_3 = arith.constant 0 : i32
    %sign3A_4 = arith.cmpi slt, %add3A, %sign3A_3 : i32
    %sign3A_5 = arith.extui %sign3A_4 : i1 to i32
    %sign3A_6 = arith.subi %sign3A_2, %sign3A_5 : i32
    %sign3A_7 = arith.constant 0 : i32
    %sign3A_8 = arith.cmpi sgt, %jit3A, %sign3A_7 : i32
    %sign3A_9 = arith.extui %sign3A_8 : i1 to i32
    %sign3A_10 = arith.constant 0 : i32
    %sign3A_11 = arith.cmpi slt, %jit3A, %sign3A_10 : i32
    %sign3A_12 = arith.extui %sign3A_11 : i1 to i32
    %sign3A_13 = arith.subi %sign3A_9, %sign3A_12 : i32
    %ne3A = arith.cmpi ne, %sign3A_6, %sign3A_13 : i32
    %rem3A = arith.remsi %add3A, %jit3A : i32
    %ne3A_14 = arith.constant 0 : i32
    %ne3A_15 = arith.cmpi ne, %rem3A, %ne3A_14 : i32
    %and3A = arith.andi %ne3A, %ne3A_15 : i1
    %sub3A = arith.constant 1 : i32
    %sub3A_16 = arith.subi %div3A, %sub3A : i32
    %select_n3A = arith.select %and3A, %sub3A_16, %div3A : i32
    %mul3A_17 = arith.constant 128 : i32
    %mul3A_18 = arith.muli %add3A, %mul3A_17 : i32
    "tpu.region"() ({
      %run_scoped3A = tpu.sem_alloc : memref<!tpu.dma_semaphore, #tpu.memory_space<semaphore_mem>>
      %dma_start3A_168 = arith.constant 0 : i32
      %dma_start3A_169 = tpu.memref_slice %arg3[%select_n3A, %dma_start3A_168] : memref<8x4096xi32, #tpu.memory_space<hbm>> -> memref<1x4096xi32, #tpu.memory_space<hbm>>
      %dma_start3A_170 = tpu.memref_squeeze %dma_start3A_169 : memref<1x4096xi32, #tpu.memory_space<hbm>> -> memref<4096xi32, #tpu.memory_space<hbm>>
      %dma_start3A_171 = arith.constant 0 : i32
      %dma_start3A_172 = tpu.memref_slice %arg3[%select_n3A, %dma_start3A_171] : memref<8x4096xi32, #tpu.memory_space<hbm>> -> memref<1x4096xi32, #tpu.memory_space<hbm>>
      %dma_start3A_173 = tpu.memref_squeeze %dma_start3A_172 : memref<1x4096xi32, #tpu.memory_space<hbm>> -> memref<4096xi32, #tpu.memory_space<hbm>>
      tpu.enqueue_dma source(%dma_start3A_173 : memref<4096xi32, #tpu.memory_space<hbm>>) target(%arg5 : memref<4096xi32, #tpu.memory_space<vmem>>) target_semaphore(%run_scoped3A : memref<!tpu.dma_semaphore, #tpu.memory_space<semaphore_mem>>)
      %dma_wait3A_174 = arith.constant 0 : i32
      %dma_wait3A_175 = tpu.memref_slice %arg3[%select_n3A, %dma_wait3A_174] : memref<8x4096xi32, #tpu.memory_space<hbm>> -> memref<1x4096xi32, #tpu.memory_space<hbm>>
      %dma_wait3A_176 = tpu.memref_squeeze %dma_wait3A_175 : memref<1x4096xi32, #tpu.memory_space<hbm>> -> memref<4096xi32, #tpu.memory_space<hbm>>
      %dma_wait3A_177 = arith.constant 0 : i32
      %dma_wait3A_178 = tpu.memref_slice %arg3[%select_n3A, %dma_wait3A_177] : memref<8x4096xi32, #tpu.memory_space<hbm>> -> memref<1x4096xi32, #tpu.memory_space<hbm>>
      %dma_wait3A_179 = tpu.memref_squeeze %dma_wait3A_178 : memref<1x4096xi32, #tpu.memory_space<hbm>> -> memref<4096xi32, #tpu.memory_space<hbm>>
      tpu.wait_dma2 semaphore(%run_scoped3A : memref<!tpu.dma_semaphore, #tpu.memory_space<semaphore_mem>>) src(%dma_wait3A_179 : memref<4096xi32, #tpu.memory_space<hbm>>) dst(%arg5 : memref<4096xi32, #tpu.memory_space<vmem>>)
      tpu.yield
    }) : () -> ()
    %add3A_19 = arith.constant 0 : i32
    %add3A_20 = arith.addi %mul3A_18, %add3A_19 : i32
    %dma_start3A = arith.constant 0 : i32
    %dma_start3A_21 = tpu.memref_slice %arg2[%add3A_20, %dma_start3A] : memref<4096x16384xf32, #tpu.memory_space<hbm>> -> memref<1x16384xf32, #tpu.memory_space<hbm>>
    %dma_start3A_22 = tpu.memref_squeeze %dma_start3A_21 : memref<1x16384xf32, #tpu.memory_space<hbm>> -> memref<16384xf32, #tpu.memory_space<hbm>>
    %dma_start3A_23 = arith.constant 0 : i32
    %dma_start3A_24 = tpu.memref_slice %arg2[%add3A_20, %dma_start3A_23] : memref<4096x16384xf32, #tpu.memory_space<hbm>> -> memref<1x16384xf32, #tpu.memory_space<hbm>>
    %dma_start3A_25 = tpu.memref_squeeze %dma_start3A_24 : memref<1x16384xf32, #tpu.memory_space<hbm>> -> memref<16384xf32, #tpu.memory_space<hbm>>
    tpu.enqueue_dma source(%dma_start3A_25 : memref<16384xf32, #tpu.memory_space<hbm>>) target(%arg6 : memref<16384xf32, #tpu.memory_space<vmem>>) target_semaphore(%arg18 : memref<!tpu.dma_semaphore, #tpu.memory_space<semaphore_mem>>)
    %add3A_26 = arith.constant 1 : i32
    %add3A_27 = arith.addi %mul3A_18, %add3A_26 : i32
    %dma_start3A_28 = arith.constant 0 : i32
    %dma_start3A_29 = tpu.memref_slice %arg2[%add3A_27, %dma_start3A_28] : memref<4096x16384xf32, #tpu.memory_space<hbm>> -> memref<1x16384xf32, #tpu.memory_space<hbm>>
    %dma_start3A_30 = tpu.memref_squeeze %dma_start3A_29 : memref<1x16384xf32, #tpu.memory_space<hbm>> -> memref<16384xf32, #tpu.memory_space<hbm>>
    %dma_start3A_31 = arith.constant 0 : i32
    %dma_start3A_32 = tpu.memref_slice %arg2[%add3A_27, %dma_start3A_31] : memref<4096x16384xf32, #tpu.memory_space<hbm>> -> memref<1x16384xf32, #tpu.memory_space<hbm>>
    %dma_start3A_33 = tpu.memref_squeeze %dma_start3A_32 : memref<1x16384xf32, #tpu.memory_space<hbm>> -> memref<16384xf32, #tpu.memory_space<hbm>>
    tpu.enqueue_dma source(%dma_start3A_33 : memref<16384xf32, #tpu.memory_space<hbm>>) target(%arg7 : memref<16384xf32, #tpu.memory_space<vmem>>) target_semaphore(%arg19 : memref<!tpu.dma_semaphore, #tpu.memory_space<semaphore_mem>>)
    %add3A_34 = arith.constant 2 : i32
    %add3A_35 = arith.addi %mul3A_18, %add3A_34 : i32
    %dma_start3A_36 = arith.constant 0 : i32
    %dma_start3A_37 = tpu.memref_slice %arg2[%add3A_35, %dma_start3A_36] : memref<4096x16384xf32, #tpu.memory_space<hbm>> -> memref<1x16384xf32, #tpu.memory_space<hbm>>
    %dma_start3A_38 = tpu.memref_squeeze %dma_start3A_37 : memref<1x16384xf32, #tpu.memory_space<hbm>> -> memref<16384xf32, #tpu.memory_space<hbm>>
    %dma_start3A_39 = arith.constant 0 : i32
    %dma_start3A_40 = tpu.memref_slice %arg2[%add3A_35, %dma_start3A_39] : memref<4096x16384xf32, #tpu.memory_space<hbm>> -> memref<1x16384xf32, #tpu.memory_space<hbm>>
    %dma_start3A_41 = tpu.memref_squeeze %dma_start3A_40 : memref<1x16384xf32, #tpu.memory_space<hbm>> -> memref<16384xf32, #tpu.memory_space<hbm>>
    tpu.enqueue_dma source(%dma_start3A_41 : memref<16384xf32, #tpu.memory_space<hbm>>) target(%arg8 : memref<16384xf32, #tpu.memory_space<vmem>>) target_semaphore(%arg20 : memref<!tpu.dma_semaphore, #tpu.memory_space<semaphore_mem>>)
    %add3A_42 = arith.constant 3 : i32
    %add3A_43 = arith.addi %mul3A_18, %add3A_42 : i32
    %dma_start3A_44 = arith.constant 0 : i32
    %dma_start3A_45 = tpu.memref_slice %arg2[%add3A_43, %dma_start3A_44] : memref<4096x16384xf32, #tpu.memory_space<hbm>> -> memref<1x16384xf32, #tpu.memory_space<hbm>>
    %dma_start3A_46 = tpu.memref_squeeze %dma_start3A_45 : memref<1x16384xf32, #tpu.memory_space<hbm>> -> memref<16384xf32, #tpu.memory_space<hbm>>
    %dma_start3A_47 = arith.constant 0 : i32
    %dma_start3A_48 = tpu.memref_slice %arg2[%add3A_43, %dma_start3A_47] : memref<4096x16384xf32, #tpu.memory_space<hbm>> -> memref<1x16384xf32, #tpu.memory_space<hbm>>
    %dma_start3A_49 = tpu.memref_squeeze %dma_start3A_48 : memref<1x16384xf32, #tpu.memory_space<hbm>> -> memref<16384xf32, #tpu.memory_space<hbm>>
    tpu.enqueue_dma source(%dma_start3A_49 : memref<16384xf32, #tpu.memory_space<hbm>>) target(%arg9 : memref<16384xf32, #tpu.memory_space<vmem>>) target_semaphore(%arg21 : memref<!tpu.dma_semaphore, #tpu.memory_space<semaphore_mem>>)
    %add3A_50 = arith.constant 4 : i32
    %add3A_51 = arith.addi %mul3A_18, %add3A_50 : i32
    %dma_start3A_52 = arith.constant 0 : i32
    %dma_start3A_53 = tpu.memref_slice %arg2[%add3A_51, %dma_start3A_52] : memref<4096x16384xf32, #tpu.memory_space<hbm>> -> memref<1x16384xf32, #tpu.memory_space<hbm>>
    %dma_start3A_54 = tpu.memref_squeeze %dma_start3A_53 : memref<1x16384xf32, #tpu.memory_space<hbm>> -> memref<16384xf32, #tpu.memory_space<hbm>>
    %dma_start3A_55 = arith.constant 0 : i32
    %dma_start3A_56 = tpu.memref_slice %arg2[%add3A_51, %dma_start3A_55] : memref<4096x16384xf32, #tpu.memory_space<hbm>> -> memref<1x16384xf32, #tpu.memory_space<hbm>>
    %dma_start3A_57 = tpu.memref_squeeze %dma_start3A_56 : memref<1x16384xf32, #tpu.memory_space<hbm>> -> memref<16384xf32, #tpu.memory_space<hbm>>
    tpu.enqueue_dma source(%dma_start3A_57 : memref<16384xf32, #tpu.memory_space<hbm>>) target(%arg10 : memref<16384xf32, #tpu.memory_space<vmem>>) target_semaphore(%arg22 : memref<!tpu.dma_semaphore, #tpu.memory_space<semaphore_mem>>)
    %add3A_58 = arith.constant 5 : i32
    %add3A_59 = arith.addi %mul3A_18, %add3A_58 : i32
    %dma_start3A_60 = arith.constant 0 : i32
    %dma_start3A_61 = tpu.memref_slice %arg2[%add3A_59, %dma_start3A_60] : memref<4096x16384xf32, #tpu.memory_space<hbm>> -> memref<1x16384xf32, #tpu.memory_space<hbm>>
    %dma_start3A_62 = tpu.memref_squeeze %dma_start3A_61 : memref<1x16384xf32, #tpu.memory_space<hbm>> -> memref<16384xf32, #tpu.memory_space<hbm>>
    %dma_start3A_63 = arith.constant 0 : i32
    %dma_start3A_64 = tpu.memref_slice %arg2[%add3A_59, %dma_start3A_63] : memref<4096x16384xf32, #tpu.memory_space<hbm>> -> memref<1x16384xf32, #tpu.memory_space<hbm>>
    %dma_start3A_65 = tpu.memref_squeeze %dma_start3A_64 : memref<1x16384xf32, #tpu.memory_space<hbm>> -> memref<16384xf32, #tpu.memory_space<hbm>>
    tpu.enqueue_dma source(%dma_start3A_65 : memref<16384xf32, #tpu.memory_space<hbm>>) target(%arg11 : memref<16384xf32, #tpu.memory_space<vmem>>) target_semaphore(%arg23 : memref<!tpu.dma_semaphore, #tpu.memory_space<semaphore_mem>>)
    %scan3A = arith.constant 0 : i32
    %scan3A_66 = arith.constant 0 : i32
    %scan3A_67 = arith.constant 21 : i32
    %scan3A_68 = arith.addi %scan3A_66, %scan3A_67 : i32
    %scan3A_69 = arith.constant 1 : i32
    %scan3A_70 = scf.for %scan3A_168 = %scan3A_66 to %scan3A_68 step %scan3A_69 iter_args(%scan3A_169 = %scan3A) -> (i32)  : i32 {
      %mul3A_170 = arith.constant 6 : i32
      %mul3A_171 = arith.muli %scan3A_168, %mul3A_170 : i32
      %add3A_172 = arith.constant 0 : i32
      %add3A_173 = arith.addi %mul3A_171, %add3A_172 : i32
      %add3A_174 = arith.addi %mul3A_18, %add3A_173 : i32
      %dma_wait3A_175 = arith.constant 0 : i32
      %dma_wait3A_176 = tpu.memref_slice %arg2[%add3A_174, %dma_wait3A_175] : memref<4096x16384xf32, #tpu.memory_space<hbm>> -> memref<1x16384xf32, #tpu.memory_space<hbm>>
      %dma_wait3A_177 = tpu.memref_squeeze %dma_wait3A_176 : memref<1x16384xf32, #tpu.memory_space<hbm>> -> memref<16384xf32, #tpu.memory_space<hbm>>
      %dma_wait3A_178 = arith.constant 0 : i32
      %dma_wait3A_179 = tpu.memref_slice %arg2[%add3A_174, %dma_wait3A_178] : memref<4096x16384xf32, #tpu.memory_space<hbm>> -> memref<1x16384xf32, #tpu.memory_space<hbm>>
      %dma_wait3A_180 = tpu.memref_squeeze %dma_wait3A_179 : memref<1x16384xf32, #tpu.memory_space<hbm>> -> memref<16384xf32, #tpu.memory_space<hbm>>
      tpu.wait_dma2 semaphore(%arg18 : memref<!tpu.dma_semaphore, #tpu.memory_space<semaphore_mem>>) src(%dma_wait3A_180 : memref<16384xf32, #tpu.memory_space<hbm>>) dst(%arg6 : memref<16384xf32, #tpu.memory_space<vmem>>)
      %add3A_181 = arith.constant 1 : i32
      %add3A_182 = arith.addi %add3A_174, %add3A_181 : i32
      %dma_wait3A_183 = arith.constant 0 : i32
      %dma_wait3A_184 = tpu.memref_slice %arg2[%add3A_182, %dma_wait3A_183] : memref<4096x16384xf32, #tpu.memory_space<hbm>> -> memref<1x16384xf32, #tpu.memory_space<hbm>>
      %dma_wait3A_185 = tpu.memref_squeeze %dma_wait3A_184 : memref<1x16384xf32, #tpu.memory_space<hbm>> -> memref<16384xf32, #tpu.memory_space<hbm>>
      %dma_wait3A_186 = arith.constant 0 : i32
      %dma_wait3A_187 = tpu.memref_slice %arg2[%add3A_182, %dma_wait3A_186] : memref<4096x16384xf32, #tpu.memory_space<hbm>> -> memref<1x16384xf32, #tpu.memory_space<hbm>>
      %dma_wait3A_188 = tpu.memref_squeeze %dma_wait3A_187 : memref<1x16384xf32, #tpu.memory_space<hbm>> -> memref<16384xf32, #tpu.memory_space<hbm>>
      tpu.wait_dma2 semaphore(%arg19 : memref<!tpu.dma_semaphore, #tpu.memory_space<semaphore_mem>>) src(%dma_wait3A_188 : memref<16384xf32, #tpu.memory_space<hbm>>) dst(%arg7 : memref<16384xf32, #tpu.memory_space<vmem>>)
      %gt3A = arith.constant 0 : i32
      %gt3A_189 = arith.cmpi sgt, %scan3A_168, %gt3A : i32
      %convert_element_type3A = arith.extui %gt3A_189 : i1 to i32
      %cond3A = arith.constant 0 : i32
      %cond3A_190 = arith.cmpi ne, %convert_element_type3A, %cond3A : i32
      scf.if %cond3A_190 {
        %sub3A_311 = arith.constant 6 : i32
        %sub3A_312 = arith.subi %add3A_174, %sub3A_311 : i32
        %dma_wait3A_313 = arith.constant 0 : i32
        %dma_wait3A_314 = tpu.memref_slice %arg4[%sub3A_312, %dma_wait3A_313] : memref<4096x4096xf32, #tpu.memory_space<hbm>> -> memref<1x4096xf32, #tpu.memory_space<hbm>>
        %dma_wait3A_315 = tpu.memref_squeeze %dma_wait3A_314 : memref<1x4096xf32, #tpu.memory_space<hbm>> -> memref<4096xf32, #tpu.memory_space<hbm>>
        %dma_wait3A_316 = arith.constant 0 : i32
        %dma_wait3A_317 = tpu.memref_slice %arg4[%sub3A_312, %dma_wait3A_316] : memref<4096x4096xf32, #tpu.memory_space<hbm>> -> memref<1x4096xf32, #tpu.memory_space<hbm>>
        %dma_wait3A_318 = tpu.memref_squeeze %dma_wait3A_317 : memref<1x4096xf32, #tpu.memory_space<hbm>> -> memref<4096xf32, #tpu.memory_space<hbm>>
        tpu.wait_dma2 semaphore(%arg24 : memref<!tpu.dma_semaphore, #tpu.memory_space<semaphore_mem>>) src(%arg12 : memref<4096xf32, #tpu.memory_space<vmem>>) dst(%dma_wait3A_318 : memref<4096xf32, #tpu.memory_space<hbm>>)
        %add3A_319 = arith.constant 1 : i32
        %add3A_320 = arith.addi %add3A_174, %add3A_319 : i32
        %sub3A_321 = arith.constant 6 : i32
        %sub3A_322 = arith.subi %add3A_320, %sub3A_321 : i32
        %dma_wait3A_323 = arith.constant 0 : i32
        %dma_wait3A_324 = tpu.memref_slice %arg4[%sub3A_322, %dma_wait3A_323] : memref<4096x4096xf32, #tpu.memory_space<hbm>> -> memref<1x4096xf32, #tpu.memory_space<hbm>>
        %dma_wait3A_325 = tpu.memref_squeeze %dma_wait3A_324 : memref<1x4096xf32, #tpu.memory_space<hbm>> -> memref<4096xf32, #tpu.memory_space<hbm>>
        %dma_wait3A_326 = arith.constant 0 : i32
        %dma_wait3A_327 = tpu.memref_slice %arg4[%sub3A_322, %dma_wait3A_326] : memref<4096x4096xf32, #tpu.memory_space<hbm>> -> memref<1x4096xf32, #tpu.memory_space<hbm>>
        %dma_wait3A_328 = tpu.memref_squeeze %dma_wait3A_327 : memref<1x4096xf32, #tpu.memory_space<hbm>> -> memref<4096xf32, #tpu.memory_space<hbm>>
        tpu.wait_dma2 semaphore(%arg25 : memref<!tpu.dma_semaphore, #tpu.memory_space<semaphore_mem>>) src(%arg13 : memref<4096xf32, #tpu.memory_space<vmem>>) dst(%dma_wait3A_328 : memref<4096xf32, #tpu.memory_space<hbm>>)
      } else {
      }
      %parallel_loop3A_191 = arith.constant 0 : i32
      %parallel_loop3A_192 = arith.constant 4096 : i32
      %parallel_loop3A_193 = arith.constant 16 : i32
      scf.for %parallel_loop3A_311 = %parallel_loop3A_191 to %parallel_loop3A_192 step %parallel_loop3A_193  : i32 {
        %parallel_loop3A_312 = arith.index_cast %parallel_loop3A_311 : i32 to index
        %parallel_loop3A_313 = tpu.vector_load %arg5[%parallel_loop3A_312] {strides = array<i32>} : memref<4096xi32, #tpu.memory_space<vmem>>, vector<16xi32>,
        %parallel_loop3A_314 = tpu.vector_load_idx %arg6[%parallel_loop3A_313] : memref<16384xf32, #tpu.memory_space<vmem>>[vector<16xi32>], vector<16xf32>,
        %parallel_loop3A_315 = arith.index_cast %parallel_loop3A_311 : i32 to index
        %parallel_loop3A_316 = tpu.vector_load %arg12[%parallel_loop3A_315] {strides = array<i32>} : memref<4096xf32, #tpu.memory_space<vmem>>, vector<16xf32>,
        tpu.vector_store %arg12[%parallel_loop3A_315], %parallel_loop3A_314 {strides = array<i32>} : memref<4096xf32, #tpu.memory_space<vmem>>, vector<16xf32>,
        %parallel_loop3A_317 = tpu.vector_load_idx %arg7[%parallel_loop3A_313] : memref<16384xf32, #tpu.memory_space<vmem>>[vector<16xi32>], vector<16xf32>,
        %parallel_loop3A_318 = arith.index_cast %parallel_loop3A_311 : i32 to index
        %parallel_loop3A_319 = tpu.vector_load %arg13[%parallel_loop3A_318] {strides = array<i32>} : memref<4096xf32, #tpu.memory_space<vmem>>, vector<16xf32>,
        tpu.vector_store %arg13[%parallel_loop3A_318], %parallel_loop3A_317 {strides = array<i32>} : memref<4096xf32, #tpu.memory_space<vmem>>, vector<16xf32>,
      } {sc.loop_unroll_factor = 8 : i64, sc.parallel_access}
      %dma_start3A_194 = arith.constant 0 : i32
      %dma_start3A_195 = tpu.memref_slice %arg4[%add3A_174, %dma_start3A_194] : memref<4096x4096xf32, #tpu.memory_space<hbm>> -> memref<1x4096xf32, #tpu.memory_space<hbm>>
      %dma_start3A_196 = tpu.memref_squeeze %dma_start3A_195 : memref<1x4096xf32, #tpu.memory_space<hbm>> -> memref<4096xf32, #tpu.memory_space<hbm>>
      %dma_start3A_197 = arith.constant 0 : i32
      %dma_start3A_198 = tpu.memref_slice %arg4[%add3A_174, %dma_start3A_197] : memref<4096x4096xf32, #tpu.memory_space<hbm>> -> memref<1x4096xf32, #tpu.memory_space<hbm>>
      %dma_start3A_199 = tpu.memref_squeeze %dma_start3A_198 : memref<1x4096xf32, #tpu.memory_space<hbm>> -> memref<4096xf32, #tpu.memory_space<hbm>>
      tpu.enqueue_dma source(%arg12 : memref<4096xf32, #tpu.memory_space<vmem>>) target(%dma_start3A_199 : memref<4096xf32, #tpu.memory_space<hbm>>) target_semaphore(%arg24 : memref<!tpu.dma_semaphore, #tpu.memory_space<semaphore_mem>>)
      %add3A_200 = arith.constant 1 : i32
      %add3A_201 = arith.addi %add3A_174, %add3A_200 : i32
      %dma_start3A_202 = arith.constant 0 : i32
      %dma_start3A_203 = tpu.memref_slice %arg4[%add3A_201, %dma_start3A_202] : memref<4096x4096xf32, #tpu.memory_space<hbm>> -> memref<1x4096xf32, #tpu.memory_space<hbm>>
      %dma_start3A_204 = tpu.memref_squeeze %dma_start3A_203 : memref<1x4096xf32, #tpu.memory_space<hbm>> -> memref<4096xf32, #tpu.memory_space<hbm>>
      %dma_start3A_205 = arith.constant 0 : i32
      %dma_start3A_206 = tpu.memref_slice %arg4[%add3A_201, %dma_start3A_205] : memref<4096x4096xf32, #tpu.memory_space<hbm>> -> memref<1x4096xf32, #tpu.memory_space<hbm>>
      %dma_start3A_207 = tpu.memref_squeeze %dma_start3A_206 : memref<1x4096xf32, #tpu.memory_space<hbm>> -> memref<4096xf32, #tpu.memory_space<hbm>>
      tpu.enqueue_dma source(%arg13 : memref<4096xf32, #tpu.memory_space<vmem>>) target(%dma_start3A_207 : memref<4096xf32, #tpu.memory_space<hbm>>) target_semaphore(%arg25 : memref<!tpu.dma_semaphore, #tpu.memory_space<semaphore_mem>>)
      %add3A_208 = arith.constant 6 : i32
      %add3A_209 = arith.addi %add3A_173, %add3A_208 : i32
      %lt3A = arith.constant 128 : i32
      %lt3A_210 = arith.cmpi slt, %add3A_209, %lt3A : i32
      %convert_element_type3A_211 = arith.extui %lt3A_210 : i1 to i32
      %cond3A_212 = arith.constant 0 : i32
      %cond3A_213 = arith.cmpi ne, %convert_element_type3A_211, %cond3A_212 : i32
      scf.if %cond3A_213 {
        %add3A_311 = arith.constant 6 : i32
        %add3A_312 = arith.addi %add3A_174, %add3A_311 : i32
        %dma_start3A_313 = arith.constant 0 : i32
        %dma_start3A_314 = tpu.memref_slice %arg2[%add3A_312, %dma_start3A_313] : memref<4096x16384xf32, #tpu.memory_space<hbm>> -> memref<1x16384xf32, #tpu.memory_space<hbm>>
        %dma_start3A_315 = tpu.memref_squeeze %dma_start3A_314 : memref<1x16384xf32, #tpu.memory_space<hbm>> -> memref<16384xf32, #tpu.memory_space<hbm>>
        %dma_start3A_316 = arith.constant 0 : i32
        %dma_start3A_317 = tpu.memref_slice %arg2[%add3A_312, %dma_start3A_316] : memref<4096x16384xf32, #tpu.memory_space<hbm>> -> memref<1x16384xf32, #tpu.memory_space<hbm>>
        %dma_start3A_318 = tpu.memref_squeeze %dma_start3A_317 : memref<1x16384xf32, #tpu.memory_space<hbm>> -> memref<16384xf32, #tpu.memory_space<hbm>>
        tpu.enqueue_dma source(%dma_start3A_318 : memref<16384xf32, #tpu.memory_space<hbm>>) target(%arg6 : memref<16384xf32, #tpu.memory_space<vmem>>) target_semaphore(%arg18 : memref<!tpu.dma_semaphore, #tpu.memory_space<semaphore_mem>>)
        %add3A_319 = arith.constant 1 : i32
        %add3A_320 = arith.addi %add3A_174, %add3A_319 : i32
        %add3A_321 = arith.constant 6 : i32
        %add3A_322 = arith.addi %add3A_320, %add3A_321 : i32
        %dma_start3A_323 = arith.constant 0 : i32
        %dma_start3A_324 = tpu.memref_slice %arg2[%add3A_322, %dma_start3A_323] : memref<4096x16384xf32, #tpu.memory_space<hbm>> -> memref<1x16384xf32, #tpu.memory_space<hbm>>
        %dma_start3A_325 = tpu.memref_squeeze %dma_start3A_324 : memref<1x16384xf32, #tpu.memory_space<hbm>> -> memref<16384xf32, #tpu.memory_space<hbm>>
        %dma_start3A_326 = arith.constant 0 : i32
        %dma_start3A_327 = tpu.memref_slice %arg2[%add3A_322, %dma_start3A_326] : memref<4096x16384xf32, #tpu.memory_space<hbm>> -> memref<1x16384xf32, #tpu.memory_space<hbm>>
        %dma_start3A_328 = tpu.memref_squeeze %dma_start3A_327 : memref<1x16384xf32, #tpu.memory_space<hbm>> -> memref<16384xf32, #tpu.memory_space<hbm>>
        tpu.enqueue_dma source(%dma_start3A_328 : memref<16384xf32, #tpu.memory_space<hbm>>) target(%arg7 : memref<16384xf32, #tpu.memory_space<vmem>>) target_semaphore(%arg19 : memref<!tpu.dma_semaphore, #tpu.memory_space<semaphore_mem>>)
      } else {
      }
      %mul3A_214 = arith.constant 6 : i32
      %mul3A_215 = arith.muli %scan3A_168, %mul3A_214 : i32
      %add3A_216 = arith.constant 2 : i32
      %add3A_217 = arith.addi %mul3A_215, %add3A_216 : i32
      %add3A_218 = arith.addi %mul3A_18, %add3A_217 : i32
      %dma_wait3A_219 = arith.constant 0 : i32
      %dma_wait3A_220 = tpu.memref_slice %arg2[%add3A_218, %dma_wait3A_219] : memref<4096x16384xf32, #tpu.memory_space<hbm>> -> memref<1x16384xf32, #tpu.memory_space<hbm>>
      %dma_wait3A_221 = tpu.memref_squeeze %dma_wait3A_220 : memref<1x16384xf32, #tpu.memory_space<hbm>> -> memref<16384xf32, #tpu.memory_space<hbm>>
      %dma_wait3A_222 = arith.constant 0 : i32
      %dma_wait3A_223 = tpu.memref_slice %arg2[%add3A_218, %dma_wait3A_222] : memref<4096x16384xf32, #tpu.memory_space<hbm>> -> memref<1x16384xf32, #tpu.memory_space<hbm>>
      %dma_wait3A_224 = tpu.memref_squeeze %dma_wait3A_223 : memref<1x16384xf32, #tpu.memory_space<hbm>> -> memref<16384xf32, #tpu.memory_space<hbm>>
      tpu.wait_dma2 semaphore(%arg20 : memref<!tpu.dma_semaphore, #tpu.memory_space<semaphore_mem>>) src(%dma_wait3A_224 : memref<16384xf32, #tpu.memory_space<hbm>>) dst(%arg8 : memref<16384xf32, #tpu.memory_space<vmem>>)
      %add3A_225 = arith.constant 1 : i32
      %add3A_226 = arith.addi %add3A_218, %add3A_225 : i32
      %dma_wait3A_227 = arith.constant 0 : i32
      %dma_wait3A_228 = tpu.memref_slice %arg2[%add3A_226, %dma_wait3A_227] : memref<4096x16384xf32, #tpu.memory_space<hbm>> -> memref<1x16384xf32, #tpu.memory_space<hbm>>
      %dma_wait3A_229 = tpu.memref_squeeze %dma_wait3A_228 : memref<1x16384xf32, #tpu.memory_space<hbm>> -> memref<16384xf32, #tpu.memory_space<hbm>>
      %dma_wait3A_230 = arith.constant 0 : i32
      %dma_wait3A_231 = tpu.memref_slice %arg2[%add3A_226, %dma_wait3A_230] : memref<4096x16384xf32, #tpu.memory_space<hbm>> -> memref<1x16384xf32, #tpu.memory_space<hbm>>
      %dma_wait3A_232 = tpu.memref_squeeze %dma_wait3A_231 : memref<1x16384xf32, #tpu.memory_space<hbm>> -> memref<16384xf32, #tpu.memory_space<hbm>>
      tpu.wait_dma2 semaphore(%arg21 : memref<!tpu.dma_semaphore, #tpu.memory_space<semaphore_mem>>) src(%dma_wait3A_232 : memref<16384xf32, #tpu.memory_space<hbm>>) dst(%arg9 : memref<16384xf32, #tpu.memory_space<vmem>>)
      %gt3A_233 = arith.constant 0 : i32
      %gt3A_234 = arith.cmpi sgt, %scan3A_168, %gt3A_233 : i32
      %convert_element_type3A_235 = arith.extui %gt3A_234 : i1 to i32
      %cond3A_236 = arith.constant 0 : i32
      %cond3A_237 = arith.cmpi ne, %convert_element_type3A_235, %cond3A_236 : i32
      scf.if %cond3A_237 {
        %sub3A_311 = arith.constant 6 : i32
        %sub3A_312 = arith.subi %add3A_218, %sub3A_311 : i32
        %dma_wait3A_313 = arith.constant 0 : i32
        %dma_wait3A_314 = tpu.memref_slice %arg4[%sub3A_312, %dma_wait3A_313] : memref<4096x4096xf32, #tpu.memory_space<hbm>> -> memref<1x4096xf32, #tpu.memory_space<hbm>>
        %dma_wait3A_315 = tpu.memref_squeeze %dma_wait3A_314 : memref<1x4096xf32, #tpu.memory_space<hbm>> -> memref<4096xf32, #tpu.memory_space<hbm>>
        %dma_wait3A_316 = arith.constant 0 : i32
        %dma_wait3A_317 = tpu.memref_slice %arg4[%sub3A_312, %dma_wait3A_316] : memref<4096x4096xf32, #tpu.memory_space<hbm>> -> memref<1x4096xf32, #tpu.memory_space<hbm>>
        %dma_wait3A_318 = tpu.memref_squeeze %dma_wait3A_317 : memref<1x4096xf32, #tpu.memory_space<hbm>> -> memref<4096xf32, #tpu.memory_space<hbm>>
        tpu.wait_dma2 semaphore(%arg26 : memref<!tpu.dma_semaphore, #tpu.memory_space<semaphore_mem>>) src(%arg14 : memref<4096xf32, #tpu.memory_space<vmem>>) dst(%dma_wait3A_318 : memref<4096xf32, #tpu.memory_space<hbm>>)
        %add3A_319 = arith.constant 1 : i32
        %add3A_320 = arith.addi %add3A_218, %add3A_319 : i32
        %sub3A_321 = arith.constant 6 : i32
        %sub3A_322 = arith.subi %add3A_320, %sub3A_321 : i32
        %dma_wait3A_323 = arith.constant 0 : i32
        %dma_wait3A_324 = tpu.memref_slice %arg4[%sub3A_322, %dma_wait3A_323] : memref<4096x4096xf32, #tpu.memory_space<hbm>> -> memref<1x4096xf32, #tpu.memory_space<hbm>>
        %dma_wait3A_325 = tpu.memref_squeeze %dma_wait3A_324 : memref<1x4096xf32, #tpu.memory_space<hbm>> -> memref<4096xf32, #tpu.memory_space<hbm>>
        %dma_wait3A_326 = arith.constant 0 : i32
        %dma_wait3A_327 = tpu.memref_slice %arg4[%sub3A_322, %dma_wait3A_326] : memref<4096x4096xf32, #tpu.memory_space<hbm>> -> memref<1x4096xf32, #tpu.memory_space<hbm>>
        %dma_wait3A_328 = tpu.memref_squeeze %dma_wait3A_327 : memref<1x4096xf32, #tpu.memory_space<hbm>> -> memref<4096xf32, #tpu.memory_space<hbm>>
        tpu.wait_dma2 semaphore(%arg27 : memref<!tpu.dma_semaphore, #tpu.memory_space<semaphore_mem>>) src(%arg15 : memref<4096xf32, #tpu.memory_space<vmem>>) dst(%dma_wait3A_328 : memref<4096xf32, #tpu.memory_space<hbm>>)
      } else {
      }
      %parallel_loop3A_238 = arith.constant 0 : i32
      %parallel_loop3A_239 = arith.constant 4096 : i32
      %parallel_loop3A_240 = arith.constant 16 : i32
      scf.for %parallel_loop3A_311 = %parallel_loop3A_238 to %parallel_loop3A_239 step %parallel_loop3A_240  : i32 {
        %parallel_loop3A_312 = arith.index_cast %parallel_loop3A_311 : i32 to index
        %parallel_loop3A_313 = tpu.vector_load %arg5[%parallel_loop3A_312] {strides = array<i32>} : memref<4096xi32, #tpu.memory_space<vmem>>, vector<16xi32>,
        %parallel_loop3A_314 = tpu.vector_load_idx %arg8[%parallel_loop3A_313] : memref<16384xf32, #tpu.memory_space<vmem>>[vector<16xi32>], vector<16xf32>,
        %parallel_loop3A_315 = arith.index_cast %parallel_loop3A_311 : i32 to index
        %parallel_loop3A_316 = tpu.vector_load %arg14[%parallel_loop3A_315] {strides = array<i32>} : memref<4096xf32, #tpu.memory_space<vmem>>, vector<16xf32>,
        tpu.vector_store %arg14[%parallel_loop3A_315], %parallel_loop3A_314 {strides = array<i32>} : memref<4096xf32, #tpu.memory_space<vmem>>, vector<16xf32>,
        %parallel_loop3A_317 = tpu.vector_load_idx %arg9[%parallel_loop3A_313] : memref<16384xf32, #tpu.memory_space<vmem>>[vector<16xi32>], vector<16xf32>,
        %parallel_loop3A_318 = arith.index_cast %parallel_loop3A_311 : i32 to index
        %parallel_loop3A_319 = tpu.vector_load %arg15[%parallel_loop3A_318] {strides = array<i32>} : memref<4096xf32, #tpu.memory_space<vmem>>, vector<16xf32>,
        tpu.vector_store %arg15[%parallel_loop3A_318], %parallel_loop3A_317 {strides = array<i32>} : memref<4096xf32, #tpu.memory_space<vmem>>, vector<16xf32>,
      } {sc.loop_unroll_factor = 8 : i64, sc.parallel_access}
      %dma_start3A_241 = arith.constant 0 : i32
      %dma_start3A_242 = tpu.memref_slice %arg4[%add3A_218, %dma_start3A_241] : memref<4096x4096xf32, #tpu.memory_space<hbm>> -> memref<1x4096xf32, #tpu.memory_space<hbm>>
      %dma_start3A_243 = tpu.memref_squeeze %dma_start3A_242 : memref<1x4096xf32, #tpu.memory_space<hbm>> -> memref<4096xf32, #tpu.memory_space<hbm>>
      %dma_start3A_244 = arith.constant 0 : i32
      %dma_start3A_245 = tpu.memref_slice %arg4[%add3A_218, %dma_start3A_244] : memref<4096x4096xf32, #tpu.memory_space<hbm>> -> memref<1x4096xf32, #tpu.memory_space<hbm>>
      %dma_start3A_246 = tpu.memref_squeeze %dma_start3A_245 : memref<1x4096xf32, #tpu.memory_space<hbm>> -> memref<4096xf32, #tpu.memory_space<hbm>>
      tpu.enqueue_dma source(%arg14 : memref<4096xf32, #tpu.memory_space<vmem>>) target(%dma_start3A_246 : memref<4096xf32, #tpu.memory_space<hbm>>) target_semaphore(%arg26 : memref<!tpu.dma_semaphore, #tpu.memory_space<semaphore_mem>>)
      %add3A_247 = arith.constant 1 : i32
      %add3A_248 = arith.addi %add3A_218, %add3A_247 : i32
      %dma_start3A_249 = arith.constant 0 : i32
      %dma_start3A_250 = tpu.memref_slice %arg4[%add3A_248, %dma_start3A_249] : memref<4096x4096xf32, #tpu.memory_space<hbm>> -> memref<1x4096xf32, #tpu.memory_space<hbm>>
      %dma_start3A_251 = tpu.memref_squeeze %dma_start3A_250 : memref<1x4096xf32, #tpu.memory_space<hbm>> -> memref<4096xf32, #tpu.memory_space<hbm>>
      %dma_start3A_252 = arith.constant 0 : i32
      %dma_start3A_253 = tpu.memref_slice %arg4[%add3A_248, %dma_start3A_252] : memref<4096x4096xf32, #tpu.memory_space<hbm>> -> memref<1x4096xf32, #tpu.memory_space<hbm>>
      %dma_start3A_254 = tpu.memref_squeeze %dma_start3A_253 : memref<1x4096xf32, #tpu.memory_space<hbm>> -> memref<4096xf32, #tpu.memory_space<hbm>>
      tpu.enqueue_dma source(%arg15 : memref<4096xf32, #tpu.memory_space<vmem>>) target(%dma_start3A_254 : memref<4096xf32, #tpu.memory_space<hbm>>) target_semaphore(%arg27 : memref<!tpu.dma_semaphore, #tpu.memory_space<semaphore_mem>>)
      %add3A_255 = arith.constant 6 : i32
      %add3A_256 = arith.addi %add3A_217, %add3A_255 : i32
      %lt3A_257 = arith.constant 128 : i32
      %lt3A_258 = arith.cmpi slt, %add3A_256, %lt3A_257 : i32
      %convert_element_type3A_259 = arith.extui %lt3A_258 : i1 to i32
      %cond3A_260 = arith.constant 0 : i32
      %cond3A_261 = arith.cmpi ne, %convert_element_type3A_259, %cond3A_260 : i32
      scf.if %cond3A_261 {
        %add3A_311 = arith.constant 6 : i32
        %add3A_312 = arith.addi %add3A_218, %add3A_311 : i32
        %dma_start3A_313 = arith.constant 0 : i32
        %dma_start3A_314 = tpu.memref_slice %arg2[%add3A_312, %dma_start3A_313] : memref<4096x16384xf32, #tpu.memory_space<hbm>> -> memref<1x16384xf32, #tpu.memory_space<hbm>>
        %dma_start3A_315 = tpu.memref_squeeze %dma_start3A_314 : memref<1x16384xf32, #tpu.memory_space<hbm>> -> memref<16384xf32, #tpu.memory_space<hbm>>
        %dma_start3A_316 = arith.constant 0 : i32
        %dma_start3A_317 = tpu.memref_slice %arg2[%add3A_312, %dma_start3A_316] : memref<4096x16384xf32, #tpu.memory_space<hbm>> -> memref<1x16384xf32, #tpu.memory_space<hbm>>
        %dma_start3A_318 = tpu.memref_squeeze %dma_start3A_317 : memref<1x16384xf32, #tpu.memory_space<hbm>> -> memref<16384xf32, #tpu.memory_space<hbm>>
        tpu.enqueue_dma source(%dma_start3A_318 : memref<16384xf32, #tpu.memory_space<hbm>>) target(%arg8 : memref<16384xf32, #tpu.memory_space<vmem>>) target_semaphore(%arg20 : memref<!tpu.dma_semaphore, #tpu.memory_space<semaphore_mem>>)
        %add3A_319 = arith.constant 1 : i32
        %add3A_320 = arith.addi %add3A_218, %add3A_319 : i32
        %add3A_321 = arith.constant 6 : i32
        %add3A_322 = arith.addi %add3A_320, %add3A_321 : i32
        %dma_start3A_323 = arith.constant 0 : i32
        %dma_start3A_324 = tpu.memref_slice %arg2[%add3A_322, %dma_start3A_323] : memref<4096x16384xf32, #tpu.memory_space<hbm>> -> memref<1x16384xf32, #tpu.memory_space<hbm>>
        %dma_start3A_325 = tpu.memref_squeeze %dma_start3A_324 : memref<1x16384xf32, #tpu.memory_space<hbm>> -> memref<16384xf32, #tpu.memory_space<hbm>>
        %dma_start3A_326 = arith.constant 0 : i32
        %dma_start3A_327 = tpu.memref_slice %arg2[%add3A_322, %dma_start3A_326] : memref<4096x16384xf32, #tpu.memory_space<hbm>> -> memref<1x16384xf32, #tpu.memory_space<hbm>>
        %dma_start3A_328 = tpu.memref_squeeze %dma_start3A_327 : memref<1x16384xf32, #tpu.memory_space<hbm>> -> memref<16384xf32, #tpu.memory_space<hbm>>
        tpu.enqueue_dma source(%dma_start3A_328 : memref<16384xf32, #tpu.memory_space<hbm>>) target(%arg9 : memref<16384xf32, #tpu.memory_space<vmem>>) target_semaphore(%arg21 : memref<!tpu.dma_semaphore, #tpu.memory_space<semaphore_mem>>)
      } else {
      }
      %mul3A_262 = arith.constant 6 : i32
      %mul3A_263 = arith.muli %scan3A_168, %mul3A_262 : i32
      %add3A_264 = arith.constant 4 : i32
      %add3A_265 = arith.addi %mul3A_263, %add3A_264 : i32
      %add3A_266 = arith.addi %mul3A_18, %add3A_265 : i32
      %dma_wait3A_267 = arith.constant 0 : i32
      %dma_wait3A_268 = tpu.memref_slice %arg2[%add3A_266, %dma_wait3A_267] : memref<4096x16384xf32, #tpu.memory_space<hbm>> -> memref<1x16384xf32, #tpu.memory_space<hbm>>
      %dma_wait3A_269 = tpu.memref_squeeze %dma_wait3A_268 : memref<1x16384xf32, #tpu.memory_space<hbm>> -> memref<16384xf32, #tpu.memory_space<hbm>>
      %dma_wait3A_270 = arith.constant 0 : i32
      %dma_wait3A_271 = tpu.memref_slice %arg2[%add3A_266, %dma_wait3A_270] : memref<4096x16384xf32, #tpu.memory_space<hbm>> -> memref<1x16384xf32, #tpu.memory_space<hbm>>
      %dma_wait3A_272 = tpu.memref_squeeze %dma_wait3A_271 : memref<1x16384xf32, #tpu.memory_space<hbm>> -> memref<16384xf32, #tpu.memory_space<hbm>>
      tpu.wait_dma2 semaphore(%arg22 : memref<!tpu.dma_semaphore, #tpu.memory_space<semaphore_mem>>) src(%dma_wait3A_272 : memref<16384xf32, #tpu.memory_space<hbm>>) dst(%arg10 : memref<16384xf32, #tpu.memory_space<vmem>>)
      %add3A_273 = arith.constant 1 : i32
      %add3A_274 = arith.addi %add3A_266, %add3A_273 : i32
      %dma_wait3A_275 = arith.constant 0 : i32
      %dma_wait3A_276 = tpu.memref_slice %arg2[%add3A_274, %dma_wait3A_275] : memref<4096x16384xf32, #tpu.memory_space<hbm>> -> memref<1x16384xf32, #tpu.memory_space<hbm>>
      %dma_wait3A_277 = tpu.memref_squeeze %dma_wait3A_276 : memref<1x16384xf32, #tpu.memory_space<hbm>> -> memref<16384xf32, #tpu.memory_space<hbm>>
      %dma_wait3A_278 = arith.constant 0 : i32
      %dma_wait3A_279 = tpu.memref_slice %arg2[%add3A_274, %dma_wait3A_278] : memref<4096x16384xf32, #tpu.memory_space<hbm>> -> memref<1x16384xf32, #tpu.memory_space<hbm>>
      %dma_wait3A_280 = tpu.memref_squeeze %dma_wait3A_279 : memref<1x16384xf32, #tpu.memory_space<hbm>> -> memref<16384xf32, #tpu.memory_space<hbm>>
      tpu.wait_dma2 semaphore(%arg23 : memref<!tpu.dma_semaphore, #tpu.memory_space<semaphore_mem>>) src(%dma_wait3A_280 : memref<16384xf32, #tpu.memory_space<hbm>>) dst(%arg11 : memref<16384xf32, #tpu.memory_space<vmem>>)
      %gt3A_281 = arith.constant 0 : i32
      %gt3A_282 = arith.cmpi sgt, %scan3A_168, %gt3A_281 : i32
      %convert_element_type3A_283 = arith.extui %gt3A_282 : i1 to i32
      %cond3A_284 = arith.constant 0 : i32
      %cond3A_285 = arith.cmpi ne, %convert_element_type3A_283, %cond3A_284 : i32
      scf.if %cond3A_285 {
        %sub3A_311 = arith.constant 6 : i32
        %sub3A_312 = arith.subi %add3A_266, %sub3A_311 : i32
        %dma_wait3A_313 = arith.constant 0 : i32
        %dma_wait3A_314 = tpu.memref_slice %arg4[%sub3A_312, %dma_wait3A_313] : memref<4096x4096xf32, #tpu.memory_space<hbm>> -> memref<1x4096xf32, #tpu.memory_space<hbm>>
        %dma_wait3A_315 = tpu.memref_squeeze %dma_wait3A_314 : memref<1x4096xf32, #tpu.memory_space<hbm>> -> memref<4096xf32, #tpu.memory_space<hbm>>
        %dma_wait3A_316 = arith.constant 0 : i32
        %dma_wait3A_317 = tpu.memref_slice %arg4[%sub3A_312, %dma_wait3A_316] : memref<4096x4096xf32, #tpu.memory_space<hbm>> -> memref<1x4096xf32, #tpu.memory_space<hbm>>
        %dma_wait3A_318 = tpu.memref_squeeze %dma_wait3A_317 : memref<1x4096xf32, #tpu.memory_space<hbm>> -> memref<4096xf32, #tpu.memory_space<hbm>>
        tpu.wait_dma2 semaphore(%arg28 : memref<!tpu.dma_semaphore, #tpu.memory_space<semaphore_mem>>) src(%arg16 : memref<4096xf32, #tpu.memory_space<vmem>>) dst(%dma_wait3A_318 : memref<4096xf32, #tpu.memory_space<hbm>>)
        %add3A_319 = arith.constant 1 : i32
        %add3A_320 = arith.addi %add3A_266, %add3A_319 : i32
        %sub3A_321 = arith.constant 6 : i32
        %sub3A_322 = arith.subi %add3A_320, %sub3A_321 : i32
        %dma_wait3A_323 = arith.constant 0 : i32
        %dma_wait3A_324 = tpu.memref_slice %arg4[%sub3A_322, %dma_wait3A_323] : memref<4096x4096xf32, #tpu.memory_space<hbm>> -> memref<1x4096xf32, #tpu.memory_space<hbm>>
        %dma_wait3A_325 = tpu.memref_squeeze %dma_wait3A_324 : memref<1x4096xf32, #tpu.memory_space<hbm>> -> memref<4096xf32, #tpu.memory_space<hbm>>
        %dma_wait3A_326 = arith.constant 0 : i32
        %dma_wait3A_327 = tpu.memref_slice %arg4[%sub3A_322, %dma_wait3A_326] : memref<4096x4096xf32, #tpu.memory_space<hbm>> -> memref<1x4096xf32, #tpu.memory_space<hbm>>
        %dma_wait3A_328 = tpu.memref_squeeze %dma_wait3A_327 : memref<1x4096xf32, #tpu.memory_space<hbm>> -> memref<4096xf32, #tpu.memory_space<hbm>>
        tpu.wait_dma2 semaphore(%arg29 : memref<!tpu.dma_semaphore, #tpu.memory_space<semaphore_mem>>) src(%arg17 : memref<4096xf32, #tpu.memory_space<vmem>>) dst(%dma_wait3A_328 : memref<4096xf32, #tpu.memory_space<hbm>>)
      } else {
      }
      %parallel_loop3A_286 = arith.constant 0 : i32
      %parallel_loop3A_287 = arith.constant 4096 : i32
      %parallel_loop3A_288 = arith.constant 16 : i32
      scf.for %parallel_loop3A_311 = %parallel_loop3A_286 to %parallel_loop3A_287 step %parallel_loop3A_288  : i32 {
        %parallel_loop3A_312 = arith.index_cast %parallel_loop3A_311 : i32 to index
        %parallel_loop3A_313 = tpu.vector_load %arg5[%parallel_loop3A_312] {strides = array<i32>} : memref<4096xi32, #tpu.memory_space<vmem>>, vector<16xi32>,
        %parallel_loop3A_314 = tpu.vector_load_idx %arg10[%parallel_loop3A_313] : memref<16384xf32, #tpu.memory_space<vmem>>[vector<16xi32>], vector<16xf32>,
        %parallel_loop3A_315 = arith.index_cast %parallel_loop3A_311 : i32 to index
        %parallel_loop3A_316 = tpu.vector_load %arg16[%parallel_loop3A_315] {strides = array<i32>} : memref<4096xf32, #tpu.memory_space<vmem>>, vector<16xf32>,
        tpu.vector_store %arg16[%parallel_loop3A_315], %parallel_loop3A_314 {strides = array<i32>} : memref<4096xf32, #tpu.memory_space<vmem>>, vector<16xf32>,
        %parallel_loop3A_317 = tpu.vector_load_idx %arg11[%parallel_loop3A_313] : memref<16384xf32, #tpu.memory_space<vmem>>[vector<16xi32>], vector<16xf32>,
        %parallel_loop3A_318 = arith.index_cast %parallel_loop3A_311 : i32 to index
        %parallel_loop3A_319 = tpu.vector_load %arg17[%parallel_loop3A_318] {strides = array<i32>} : memref<4096xf32, #tpu.memory_space<vmem>>, vector<16xf32>,
        tpu.vector_store %arg17[%parallel_loop3A_318], %parallel_loop3A_317 {strides = array<i32>} : memref<4096xf32, #tpu.memory_space<vmem>>, vector<16xf32>,
      } {sc.loop_unroll_factor = 8 : i64, sc.parallel_access}
      %dma_start3A_289 = arith.constant 0 : i32
      %dma_start3A_290 = tpu.memref_slice %arg4[%add3A_266, %dma_start3A_289] : memref<4096x4096xf32, #tpu.memory_space<hbm>> -> memref<1x4096xf32, #tpu.memory_space<hbm>>
      %dma_start3A_291 = tpu.memref_squeeze %dma_start3A_290 : memref<1x4096xf32, #tpu.memory_space<hbm>> -> memref<4096xf32, #tpu.memory_space<hbm>>
      %dma_start3A_292 = arith.constant 0 : i32
      %dma_start3A_293 = tpu.memref_slice %arg4[%add3A_266, %dma_start3A_292] : memref<4096x4096xf32, #tpu.memory_space<hbm>> -> memref<1x4096xf32, #tpu.memory_space<hbm>>
      %dma_start3A_294 = tpu.memref_squeeze %dma_start3A_293 : memref<1x4096xf32, #tpu.memory_space<hbm>> -> memref<4096xf32, #tpu.memory_space<hbm>>
      tpu.enqueue_dma source(%arg16 : memref<4096xf32, #tpu.memory_space<vmem>>) target(%dma_start3A_294 : memref<4096xf32, #tpu.memory_space<hbm>>) target_semaphore(%arg28 : memref<!tpu.dma_semaphore, #tpu.memory_space<semaphore_mem>>)
      %add3A_295 = arith.constant 1 : i32
      %add3A_296 = arith.addi %add3A_266, %add3A_295 : i32
      %dma_start3A_297 = arith.constant 0 : i32
      %dma_start3A_298 = tpu.memref_slice %arg4[%add3A_296, %dma_start3A_297] : memref<4096x4096xf32, #tpu.memory_space<hbm>> -> memref<1x4096xf32, #tpu.memory_space<hbm>>
      %dma_start3A_299 = tpu.memref_squeeze %dma_start3A_298 : memref<1x4096xf32, #tpu.memory_space<hbm>> -> memref<4096xf32, #tpu.memory_space<hbm>>
      %dma_start3A_300 = arith.constant 0 : i32
      %dma_start3A_301 = tpu.memref_slice %arg4[%add3A_296, %dma_start3A_300] : memref<4096x4096xf32, #tpu.memory_space<hbm>> -> memref<1x4096xf32, #tpu.memory_space<hbm>>
      %dma_start3A_302 = tpu.memref_squeeze %dma_start3A_301 : memref<1x4096xf32, #tpu.memory_space<hbm>> -> memref<4096xf32, #tpu.memory_space<hbm>>
      tpu.enqueue_dma source(%arg17 : memref<4096xf32, #tpu.memory_space<vmem>>) target(%dma_start3A_302 : memref<4096xf32, #tpu.memory_space<hbm>>) target_semaphore(%arg29 : memref<!tpu.dma_semaphore, #tpu.memory_space<semaphore_mem>>)
      %add3A_303 = arith.constant 6 : i32
      %add3A_304 = arith.addi %add3A_265, %add3A_303 : i32
      %lt3A_305 = arith.constant 128 : i32
      %lt3A_306 = arith.cmpi slt, %add3A_304, %lt3A_305 : i32
      %convert_element_type3A_307 = arith.extui %lt3A_306 : i1 to i32
      %cond3A_308 = arith.constant 0 : i32
      %cond3A_309 = arith.cmpi ne, %convert_element_type3A_307, %cond3A_308 : i32
      scf.if %cond3A_309 {
        %add3A_311 = arith.constant 6 : i32
        %add3A_312 = arith.addi %add3A_266, %add3A_311 : i32
        %dma_start3A_313 = arith.constant 0 : i32
        %dma_start3A_314 = tpu.memref_slice %arg2[%add3A_312, %dma_start3A_313] : memref<4096x16384xf32, #tpu.memory_space<hbm>> -> memref<1x16384xf32, #tpu.memory_space<hbm>>
        %dma_start3A_315 = tpu.memref_squeeze %dma_start3A_314 : memref<1x16384xf32, #tpu.memory_space<hbm>> -> memref<16384xf32, #tpu.memory_space<hbm>>
        %dma_start3A_316 = arith.constant 0 : i32
        %dma_start3A_317 = tpu.memref_slice %arg2[%add3A_312, %dma_start3A_316] : memref<4096x16384xf32, #tpu.memory_space<hbm>> -> memref<1x16384xf32, #tpu.memory_space<hbm>>
        %dma_start3A_318 = tpu.memref_squeeze %dma_start3A_317 : memref<1x16384xf32, #tpu.memory_space<hbm>> -> memref<16384xf32, #tpu.memory_space<hbm>>
        tpu.enqueue_dma source(%dma_start3A_318 : memref<16384xf32, #tpu.memory_space<hbm>>) target(%arg10 : memref<16384xf32, #tpu.memory_space<vmem>>) target_semaphore(%arg22 : memref<!tpu.dma_semaphore, #tpu.memory_space<semaphore_mem>>)
        %add3A_319 = arith.constant 1 : i32
        %add3A_320 = arith.addi %add3A_266, %add3A_319 : i32
        %add3A_321 = arith.constant 6 : i32
        %add3A_322 = arith.addi %add3A_320, %add3A_321 : i32
        %dma_start3A_323 = arith.constant 0 : i32
        %dma_start3A_324 = tpu.memref_slice %arg2[%add3A_322, %dma_start3A_323] : memref<4096x16384xf32, #tpu.memory_space<hbm>> -> memref<1x16384xf32, #tpu.memory_space<hbm>>
        %dma_start3A_325 = tpu.memref_squeeze %dma_start3A_324 : memref<1x16384xf32, #tpu.memory_space<hbm>> -> memref<16384xf32, #tpu.memory_space<hbm>>
        %dma_start3A_326 = arith.constant 0 : i32
        %dma_start3A_327 = tpu.memref_slice %arg2[%add3A_322, %dma_start3A_326] : memref<4096x16384xf32, #tpu.memory_space<hbm>> -> memref<1x16384xf32, #tpu.memory_space<hbm>>
        %dma_start3A_328 = tpu.memref_squeeze %dma_start3A_327 : memref<1x16384xf32, #tpu.memory_space<hbm>> -> memref<16384xf32, #tpu.memory_space<hbm>>
        tpu.enqueue_dma source(%dma_start3A_328 : memref<16384xf32, #tpu.memory_space<hbm>>) target(%arg11 : memref<16384xf32, #tpu.memory_space<vmem>>) target_semaphore(%arg23 : memref<!tpu.dma_semaphore, #tpu.memory_space<semaphore_mem>>)
      } else {
      }
      %scan3A_310 = arith.constant 0 : i32
      scf.yield %scan3A_310 : i32
    }
    %scan3A_71 = arith.constant 21 : i32
    %add3A_72 = arith.constant 126 : i32
    %add3A_73 = arith.addi %mul3A_18, %add3A_72 : i32
    %dma_wait3A = arith.constant 0 : i32
    %dma_wait3A_74 = tpu.memref_slice %arg2[%add3A_73, %dma_wait3A] : memref<4096x16384xf32, #tpu.memory_space<hbm>> -> memref<1x16384xf32, #tpu.memory_space<hbm>>
    %dma_wait3A_75 = tpu.memref_squeeze %dma_wait3A_74 : memref<1x16384xf32, #tpu.memory_space<hbm>> -> memref<16384xf32, #tpu.memory_space<hbm>>
    %dma_wait3A_76 = arith.constant 0 : i32
    %dma_wait3A_77 = tpu.memref_slice %arg2[%add3A_73, %dma_wait3A_76] : memref<4096x16384xf32, #tpu.memory_space<hbm>> -> memref<1x16384xf32, #tpu.memory_space<hbm>>
    %dma_wait3A_78 = tpu.memref_squeeze %dma_wait3A_77 : memref<1x16384xf32, #tpu.memory_space<hbm>> -> memref<16384xf32, #tpu.memory_space<hbm>>
    tpu.wait_dma2 semaphore(%arg18 : memref<!tpu.dma_semaphore, #tpu.memory_space<semaphore_mem>>) src(%dma_wait3A_78 : memref<16384xf32, #tpu.memory_space<hbm>>) dst(%arg6 : memref<16384xf32, #tpu.memory_space<vmem>>)
    %sub3A_79 = arith.constant 6 : i32
    %sub3A_80 = arith.subi %add3A_73, %sub3A_79 : i32
    %dma_wait3A_81 = arith.constant 0 : i32
    %dma_wait3A_82 = tpu.memref_slice %arg4[%sub3A_80, %dma_wait3A_81] : memref<4096x4096xf32, #tpu.memory_space<hbm>> -> memref<1x4096xf32, #tpu.memory_space<hbm>>
    %dma_wait3A_83 = tpu.memref_squeeze %dma_wait3A_82 : memref<1x4096xf32, #tpu.memory_space<hbm>> -> memref<4096xf32, #tpu.memory_space<hbm>>
    %dma_wait3A_84 = arith.constant 0 : i32
    %dma_wait3A_85 = tpu.memref_slice %arg4[%sub3A_80, %dma_wait3A_84] : memref<4096x4096xf32, #tpu.memory_space<hbm>> -> memref<1x4096xf32, #tpu.memory_space<hbm>>
    %dma_wait3A_86 = tpu.memref_squeeze %dma_wait3A_85 : memref<1x4096xf32, #tpu.memory_space<hbm>> -> memref<4096xf32, #tpu.memory_space<hbm>>
    tpu.wait_dma2 semaphore(%arg24 : memref<!tpu.dma_semaphore, #tpu.memory_space<semaphore_mem>>) src(%arg12 : memref<4096xf32, #tpu.memory_space<vmem>>) dst(%dma_wait3A_86 : memref<4096xf32, #tpu.memory_space<hbm>>)
    %parallel_loop3A = arith.constant 0 : i32
    %parallel_loop3A_87 = arith.constant 4096 : i32
    %parallel_loop3A_88 = arith.constant 16 : i32
    scf.for %parallel_loop3A_168 = %parallel_loop3A to %parallel_loop3A_87 step %parallel_loop3A_88  : i32 {
      %parallel_loop3A_169 = arith.index_cast %parallel_loop3A_168 : i32 to index
      %parallel_loop3A_170 = tpu.vector_load %arg5[%parallel_loop3A_169] {strides = array<i32>} : memref<4096xi32, #tpu.memory_space<vmem>>, vector<16xi32>,
      %parallel_loop3A_171 = tpu.vector_load_idx %arg6[%parallel_loop3A_170] : memref<16384xf32, #tpu.memory_space<vmem>>[vector<16xi32>], vector<16xf32>,
      %parallel_loop3A_172 = arith.index_cast %parallel_loop3A_168 : i32 to index
      %parallel_loop3A_173 = tpu.vector_load %arg12[%parallel_loop3A_172] {strides = array<i32>} : memref<4096xf32, #tpu.memory_space<vmem>>, vector<16xf32>,
      tpu.vector_store %arg12[%parallel_loop3A_172], %parallel_loop3A_171 {strides = array<i32>} : memref<4096xf32, #tpu.memory_space<vmem>>, vector<16xf32>,
    } {sc.loop_unroll_factor = 8 : i64, sc.parallel_access}
    %dma_start3A_89 = arith.constant 0 : i32
    %dma_start3A_90 = tpu.memref_slice %arg4[%add3A_73, %dma_start3A_89] : memref<4096x4096xf32, #tpu.memory_space<hbm>> -> memref<1x4096xf32, #tpu.memory_space<hbm>>
    %dma_start3A_91 = tpu.memref_squeeze %dma_start3A_90 : memref<1x4096xf32, #tpu.memory_space<hbm>> -> memref<4096xf32, #tpu.memory_space<hbm>>
    %dma_start3A_92 = arith.constant 0 : i32
    %dma_start3A_93 = tpu.memref_slice %arg4[%add3A_73, %dma_start3A_92] : memref<4096x4096xf32, #tpu.memory_space<hbm>> -> memref<1x4096xf32, #tpu.memory_space<hbm>>
    %dma_start3A_94 = tpu.memref_squeeze %dma_start3A_93 : memref<1x4096xf32, #tpu.memory_space<hbm>> -> memref<4096xf32, #tpu.memory_space<hbm>>
    tpu.enqueue_dma source(%arg12 : memref<4096xf32, #tpu.memory_space<vmem>>) target(%dma_start3A_94 : memref<4096xf32, #tpu.memory_space<hbm>>) target_semaphore(%arg24 : memref<!tpu.dma_semaphore, #tpu.memory_space<semaphore_mem>>)
    %add3A_95 = arith.constant 127 : i32
    %add3A_96 = arith.addi %mul3A_18, %add3A_95 : i32
    %dma_wait3A_97 = arith.constant 0 : i32
    %dma_wait3A_98 = tpu.memref_slice %arg2[%add3A_96, %dma_wait3A_97] : memref<4096x16384xf32, #tpu.memory_space<hbm>> -> memref<1x16384xf32, #tpu.memory_space<hbm>>
    %dma_wait3A_99 = tpu.memref_squeeze %dma_wait3A_98 : memref<1x16384xf32, #tpu.memory_space<hbm>> -> memref<16384xf32, #tpu.memory_space<hbm>>
    %dma_wait3A_100 = arith.constant 0 : i32
    %dma_wait3A_101 = tpu.memref_slice %arg2[%add3A_96, %dma_wait3A_100] : memref<4096x16384xf32, #tpu.memory_space<hbm>> -> memref<1x16384xf32, #tpu.memory_space<hbm>>
    %dma_wait3A_102 = tpu.memref_squeeze %dma_wait3A_101 : memref<1x16384xf32, #tpu.memory_space<hbm>> -> memref<16384xf32, #tpu.memory_space<hbm>>
    tpu.wait_dma2 semaphore(%arg19 : memref<!tpu.dma_semaphore, #tpu.memory_space<semaphore_mem>>) src(%dma_wait3A_102 : memref<16384xf32, #tpu.memory_space<hbm>>) dst(%arg7 : memref<16384xf32, #tpu.memory_space<vmem>>)
    %sub3A_103 = arith.constant 6 : i32
    %sub3A_104 = arith.subi %add3A_96, %sub3A_103 : i32
    %dma_wait3A_105 = arith.constant 0 : i32
    %dma_wait3A_106 = tpu.memref_slice %arg4[%sub3A_104, %dma_wait3A_105] : memref<4096x4096xf32, #tpu.memory_space<hbm>> -> memref<1x4096xf32, #tpu.memory_space<hbm>>
    %dma_wait3A_107 = tpu.memref_squeeze %dma_wait3A_106 : memref<1x4096xf32, #tpu.memory_space<hbm>> -> memref<4096xf32, #tpu.memory_space<hbm>>
    %dma_wait3A_108 = arith.constant 0 : i32
    %dma_wait3A_109 = tpu.memref_slice %arg4[%sub3A_104, %dma_wait3A_108] : memref<4096x4096xf32, #tpu.memory_space<hbm>> -> memref<1x4096xf32, #tpu.memory_space<hbm>>
    %dma_wait3A_110 = tpu.memref_squeeze %dma_wait3A_109 : memref<1x4096xf32, #tpu.memory_space<hbm>> -> memref<4096xf32, #tpu.memory_space<hbm>>
    tpu.wait_dma2 semaphore(%arg25 : memref<!tpu.dma_semaphore, #tpu.memory_space<semaphore_mem>>) src(%arg13 : memref<4096xf32, #tpu.memory_space<vmem>>) dst(%dma_wait3A_110 : memref<4096xf32, #tpu.memory_space<hbm>>)
    %parallel_loop3A_111 = arith.constant 0 : i32
    %parallel_loop3A_112 = arith.constant 4096 : i32
    %parallel_loop3A_113 = arith.constant 16 : i32
    scf.for %parallel_loop3A_168 = %parallel_loop3A_111 to %parallel_loop3A_112 step %parallel_loop3A_113  : i32 {
      %parallel_loop3A_169 = arith.index_cast %parallel_loop3A_168 : i32 to index
      %parallel_loop3A_170 = tpu.vector_load %arg5[%parallel_loop3A_169] {strides = array<i32>} : memref<4096xi32, #tpu.memory_space<vmem>>, vector<16xi32>,
      %parallel_loop3A_171 = tpu.vector_load_idx %arg7[%parallel_loop3A_170] : memref<16384xf32, #tpu.memory_space<vmem>>[vector<16xi32>], vector<16xf32>,
      %parallel_loop3A_172 = arith.index_cast %parallel_loop3A_168 : i32 to index
      %parallel_loop3A_173 = tpu.vector_load %arg13[%parallel_loop3A_172] {strides = array<i32>} : memref<4096xf32, #tpu.memory_space<vmem>>, vector<16xf32>,
      tpu.vector_store %arg13[%parallel_loop3A_172], %parallel_loop3A_171 {strides = array<i32>} : memref<4096xf32, #tpu.memory_space<vmem>>, vector<16xf32>,
    } {sc.loop_unroll_factor = 8 : i64, sc.parallel_access}
    %dma_start3A_114 = arith.constant 0 : i32
    %dma_start3A_115 = tpu.memref_slice %arg4[%add3A_96, %dma_start3A_114] : memref<4096x4096xf32, #tpu.memory_space<hbm>> -> memref<1x4096xf32, #tpu.memory_space<hbm>>
    %dma_start3A_116 = tpu.memref_squeeze %dma_start3A_115 : memref<1x4096xf32, #tpu.memory_space<hbm>> -> memref<4096xf32, #tpu.memory_space<hbm>>
    %dma_start3A_117 = arith.constant 0 : i32
    %dma_start3A_118 = tpu.memref_slice %arg4[%add3A_96, %dma_start3A_117] : memref<4096x4096xf32, #tpu.memory_space<hbm>> -> memref<1x4096xf32, #tpu.memory_space<hbm>>
    %dma_start3A_119 = tpu.memref_squeeze %dma_start3A_118 : memref<1x4096xf32, #tpu.memory_space<hbm>> -> memref<4096xf32, #tpu.memory_space<hbm>>
    tpu.enqueue_dma source(%arg13 : memref<4096xf32, #tpu.memory_space<vmem>>) target(%dma_start3A_119 : memref<4096xf32, #tpu.memory_space<hbm>>) target_semaphore(%arg25 : memref<!tpu.dma_semaphore, #tpu.memory_space<semaphore_mem>>)
    %add3A_120 = arith.constant 122 : i32
    %add3A_121 = arith.addi %mul3A_18, %add3A_120 : i32
    %dma_wait3A_122 = arith.constant 0 : i32
    %dma_wait3A_123 = tpu.memref_slice %arg4[%add3A_121, %dma_wait3A_122] : memref<4096x4096xf32, #tpu.memory_space<hbm>> -> memref<1x4096xf32, #tpu.memory_space<hbm>>
    %dma_wait3A_124 = tpu.memref_squeeze %dma_wait3A_123 : memref<1x4096xf32, #tpu.memory_space<hbm>> -> memref<4096xf32, #tpu.memory_space<hbm>>
    %dma_wait3A_125 = arith.constant 0 : i32
    %dma_wait3A_126 = tpu.memref_slice %arg4[%add3A_121, %dma_wait3A_125] : memref<4096x4096xf32, #tpu.memory_space<hbm>> -> memref<1x4096xf32, #tpu.memory_space<hbm>>
    %dma_wait3A_127 = tpu.memref_squeeze %dma_wait3A_126 : memref<1x4096xf32, #tpu.memory_space<hbm>> -> memref<4096xf32, #tpu.memory_space<hbm>>
    tpu.wait_dma2 semaphore(%arg26 : memref<!tpu.dma_semaphore, #tpu.memory_space<semaphore_mem>>) src(%arg14 : memref<4096xf32, #tpu.memory_space<vmem>>) dst(%dma_wait3A_127 : memref<4096xf32, #tpu.memory_space<hbm>>)
    %add3A_128 = arith.constant 123 : i32
    %add3A_129 = arith.addi %mul3A_18, %add3A_128 : i32
    %dma_wait3A_130 = arith.constant 0 : i32
    %dma_wait3A_131 = tpu.memref_slice %arg4[%add3A_129, %dma_wait3A_130] : memref<4096x4096xf32, #tpu.memory_space<hbm>> -> memref<1x4096xf32, #tpu.memory_space<hbm>>
    %dma_wait3A_132 = tpu.memref_squeeze %dma_wait3A_131 : memref<1x4096xf32, #tpu.memory_space<hbm>> -> memref<4096xf32, #tpu.memory_space<hbm>>
    %dma_wait3A_133 = arith.constant 0 : i32
    %dma_wait3A_134 = tpu.memref_slice %arg4[%add3A_129, %dma_wait3A_133] : memref<4096x4096xf32, #tpu.memory_space<hbm>> -> memref<1x4096xf32, #tpu.memory_space<hbm>>
    %dma_wait3A_135 = tpu.memref_squeeze %dma_wait3A_134 : memref<1x4096xf32, #tpu.memory_space<hbm>> -> memref<4096xf32, #tpu.memory_space<hbm>>
    tpu.wait_dma2 semaphore(%arg27 : memref<!tpu.dma_semaphore, #tpu.memory_space<semaphore_mem>>) src(%arg15 : memref<4096xf32, #tpu.memory_space<vmem>>) dst(%dma_wait3A_135 : memref<4096xf32, #tpu.memory_space<hbm>>)
    %add3A_136 = arith.constant 124 : i32
    %add3A_137 = arith.addi %mul3A_18, %add3A_136 : i32
    %dma_wait3A_138 = arith.constant 0 : i32
    %dma_wait3A_139 = tpu.memref_slice %arg4[%add3A_137, %dma_wait3A_138] : memref<4096x4096xf32, #tpu.memory_space<hbm>> -> memref<1x4096xf32, #tpu.memory_space<hbm>>
    %dma_wait3A_140 = tpu.memref_squeeze %dma_wait3A_139 : memref<1x4096xf32, #tpu.memory_space<hbm>> -> memref<4096xf32, #tpu.memory_space<hbm>>
    %dma_wait3A_141 = arith.constant 0 : i32
    %dma_wait3A_142 = tpu.memref_slice %arg4[%add3A_137, %dma_wait3A_141] : memref<4096x4096xf32, #tpu.memory_space<hbm>> -> memref<1x4096xf32, #tpu.memory_space<hbm>>
    %dma_wait3A_143 = tpu.memref_squeeze %dma_wait3A_142 : memref<1x4096xf32, #tpu.memory_space<hbm>> -> memref<4096xf32, #tpu.memory_space<hbm>>
    tpu.wait_dma2 semaphore(%arg28 : memref<!tpu.dma_semaphore, #tpu.memory_space<semaphore_mem>>) src(%arg16 : memref<4096xf32, #tpu.memory_space<vmem>>) dst(%dma_wait3A_143 : memref<4096xf32, #tpu.memory_space<hbm>>)
    %add3A_144 = arith.constant 125 : i32
    %add3A_145 = arith.addi %mul3A_18, %add3A_144 : i32
    %dma_wait3A_146 = arith.constant 0 : i32
    %dma_wait3A_147 = tpu.memref_slice %arg4[%add3A_145, %dma_wait3A_146] : memref<4096x4096xf32, #tpu.memory_space<hbm>> -> memref<1x4096xf32, #tpu.memory_space<hbm>>
    %dma_wait3A_148 = tpu.memref_squeeze %dma_wait3A_147 : memref<1x4096xf32, #tpu.memory_space<hbm>> -> memref<4096xf32, #tpu.memory_space<hbm>>
    %dma_wait3A_149 = arith.constant 0 : i32
    %dma_wait3A_150 = tpu.memref_slice %arg4[%add3A_145, %dma_wait3A_149] : memref<4096x4096xf32, #tpu.memory_space<hbm>> -> memref<1x4096xf32, #tpu.memory_space<hbm>>
    %dma_wait3A_151 = tpu.memref_squeeze %dma_wait3A_150 : memref<1x4096xf32, #tpu.memory_space<hbm>> -> memref<4096xf32, #tpu.memory_space<hbm>>
    tpu.wait_dma2 semaphore(%arg29 : memref<!tpu.dma_semaphore, #tpu.memory_space<semaphore_mem>>) src(%arg17 : memref<4096xf32, #tpu.memory_space<vmem>>) dst(%dma_wait3A_151 : memref<4096xf32, #tpu.memory_space<hbm>>)
    %add3A_152 = arith.constant 126 : i32
    %add3A_153 = arith.addi %mul3A_18, %add3A_152 : i32
    %dma_wait3A_154 = arith.constant 0 : i32
    %dma_wait3A_155 = tpu.memref_slice %arg4[%add3A_153, %dma_wait3A_154] : memref<4096x4096xf32, #tpu.memory_space<hbm>> -> memref<1x4096xf32, #tpu.memory_space<hbm>>
    %dma_wait3A_156 = tpu.memref_squeeze %dma_wait3A_155 : memref<1x4096xf32, #tpu.memory_space<hbm>> -> memref<4096xf32, #tpu.memory_space<hbm>>
    %dma_wait3A_157 = arith.constant 0 : i32
    %dma_wait3A_158 = tpu.memref_slice %arg4[%add3A_153, %dma_wait3A_157] : memref<4096x4096xf32, #tpu.memory_space<hbm>> -> memref<1x4096xf32, #tpu.memory_space<hbm>>
    %dma_wait3A_159 = tpu.memref_squeeze %dma_wait3A_158 : memref<1x4096xf32, #tpu.memory_space<hbm>> -> memref<4096xf32, #tpu.memory_space<hbm>>
    tpu.wait_dma2 semaphore(%arg24 : memref<!tpu.dma_semaphore, #tpu.memory_space<semaphore_mem>>) src(%arg12 : memref<4096xf32, #tpu.memory_space<vmem>>) dst(%dma_wait3A_159 : memref<4096xf32, #tpu.memory_space<hbm>>)
    %add3A_160 = arith.constant 127 : i32
    %add3A_161 = arith.addi %mul3A_18, %add3A_160 : i32
    %dma_wait3A_162 = arith.constant 0 : i32
    %dma_wait3A_163 = tpu.memref_slice %arg4[%add3A_161, %dma_wait3A_162] : memref<4096x4096xf32, #tpu.memory_space<hbm>> -> memref<1x4096xf32, #tpu.memory_space<hbm>>
    %dma_wait3A_164 = tpu.memref_squeeze %dma_wait3A_163 : memref<1x4096xf32, #tpu.memory_space<hbm>> -> memref<4096xf32, #tpu.memory_space<hbm>>
    %dma_wait3A_165 = arith.constant 0 : i32
    %dma_wait3A_166 = tpu.memref_slice %arg4[%add3A_161, %dma_wait3A_165] : memref<4096x4096xf32, #tpu.memory_space<hbm>> -> memref<1x4096xf32, #tpu.memory_space<hbm>>
    %dma_wait3A_167 = tpu.memref_squeeze %dma_wait3A_166 : memref<1x4096xf32, #tpu.memory_space<hbm>> -> memref<4096xf32, #tpu.memory_space<hbm>>
    tpu.wait_dma2 semaphore(%arg25 : memref<!tpu.dma_semaphore, #tpu.memory_space<semaphore_mem>>) src(%arg13 : memref<4096xf32, #tpu.memory_space<vmem>>) dst(%dma_wait3A_167 : memref<4096xf32, #tpu.memory_space<hbm>>)
    return
  }
}

</mosaic_0001>

<sc_bundles>
// kernel: _run.3.cloned.1.call-start
scs
__scs_entry_jumppad:
0x0: {  	(pc) =	sbr.rel $0x88, $3  }
0x1: {  	(tag) =	ssettag $0x0;
	lr =	simm.s32 $0x1  }
0x2: {  	[smem:$0x3F9F] =	sst lr;
	_ =	strace $0xD0000000  }
0x3: {  	_ = 	snop  }
0x4: {  	_ = 	snop  }
0x5: {  	_ = 	snop  }
0x6: {  	_ = 	snop  }
0x7: {  	_ = 	snop  }
__scs_overlays_trampoline_lowered:
0x8: {  	[smem:$0x3FAE] =	sst s0  }
0x9: {  	[smem:$0x3FAF] =	sst s1  }
0xa: {  	[smem:$0x3FB0] =	sst s2  }
0xb: {  	[smem:$0x3FB1] =	sst s3  }
0xc: {  	[smem:$0x3FB2] =	sst s4  }
0xd: {  	[smem:$0x3FB3] =	sst s5  }
0xe: {  	[smem:$0x3FB4] =	sst s6  }
0xf: {  	[smem:$0x3FB5] =	sst s7  }
0x10: {  	[smem:$0x3FB6] =	sst s8  }
0x11: {  	[smem:$0x3FB7] =	sst s9;
	s0 =	simm.s32 @!p0 $0x0  }
0x12: {  	s1 =	sld [smem:$0x3F9D];
	s0 =	simm.s32 @p0 $0x1  }
0x13: {  	[smem:$0x3FB8] =	sst s0;
	s0 =	simm.s32 @!p1 $0x0  }
0x14: {  	s2 =	sld [smem:$0x3F9C];
	s0 =	simm.s32 @p1 $0x1  }
0x15: {  	[smem:$0x3FB9] =	sst s0;
	s0 =	simm.s32 @!p2 $0x0  }
0x16: {  	s3 =	sld [smem:$0x3FDB];
	s0 =	simm.s32 @p2 $0x1  }
0x17: {  	s4 =	simm.s32 $0x1BF5;
	[smem:$0x3FBB] =	sst s0  }
0x18: {  	s0 =	sld [smem:$0x3F9E];
	_ =	swait.ge [sflag:s4], $0x0  }
0x19: {  	s7 =	sld [smem:$0x3F9F]  }
0x1a: {  	s8 =	sadd.s32 $0xFFFFE003, lr  }
0x1b: {  	s9 =	sadd.s32 $0xFFFFFEF7, lr;
	s5 =	simm.s32 $0xFFFFFFFF;
	p2 =	slt.u32 s8, $0xFFFFF086  }
0x1c: {  	p1 =	slt.u32 s9, $0xF7A;
	s5 =	simm.s32 @!p2 $0x0  }
0x1d: {  	s5 =	simm.s32 @p1 $0x1;
	p0 =	seq.s32 s7, s2  }
0x1e: {  	s7 =	smul.u32 @!p0 $0xF7A, s2;
	p2 =	seq.s32 @!p0 s5, $0x0  }
0x1f: {  	s9 =	smul.u32 $0xF7A, s1;
	s8 =	simm.s32 @!p0 $0x1BF5;
	p2 =	por !p2, p0  }
0x20: {  	[sflag:s8] =	ssyncset.s32 @!p0 $0xFFFFF086;
	s6 =	sadd.s32 @!p0 s3, s7;
	s7 =	simm.s32 @!p0 $0x108  }
0x21: {  	s3 =	sadd.s32 s3, s9;
	s6 =	sadd.s32 @!p0 $0x88, s6;
	s7 =	simm.s32 @p2 $0x1082  }
0x22: {  	[simem:s7], [sflag:s8] =	dma.local @!p0 [hbm:s6], $0xF7A  }
0x23: {  	s9 =	sor.u32 $0xD0000000, s2;
	s6 =	simm.s32 $0x108;
	_ =	swait.ge @!p0 [sflag:s8], $0x0  }
0x24: {  	s3 =	sadd.s32 $0x88, s3;
	s6 =	simm.s32 @!p1 $0x1082;
	[sflag:s4] =	ssyncset.s32 $0xFFFFF086  }
0x25: {  	[simem:s6], [sflag:s4] =	dma.local [hbm:s3], $0xF7A  }
0x26: {  	[smem:$0x3F9F] =	sst s1;
	(tag) =	ssettag s2;
	_ =	strace s9  }
0x27: {  	s1 =	sld [smem:$0x3FAF]  }
0x28: {  	s2 =	sld [smem:$0x3FB0]  }
0x29: {  	s4 =	sld [smem:$0x3FB2]  }
0x2a: {  	p0 =	seq.s32 s5, $0x0;
	s5 =	sld [smem:$0x3FB3]  }
0x2b: {  	s6 =	sld [smem:$0x3FB4]  }
0x2c: {  	s7 =	sld [smem:$0x3FB5]  }
0x2d: {  	s3 =	simm.s32 $0x108;
	s8 =	sld [smem:$0x3FB6]  }
0x2e: {  	s3 =	simm.s32 @!p0 $0x1082;
	s9 =	sld [smem:$0x3FB7]  }
0x2f: {  	lr =	sadd.s32 s0, s3;
	s0 =	sld [smem:$0x3FAE]  }
0x30: {  	s3 =	sld [smem:$0x3FB1]  }
0x31: {  	[smem:$0x3FBA] =	sst s10  }
0x32: {  	s10 =	sld [smem:$0x3FB8];
	_ =	sdelay $0x3  }
0x33: {  	p0 =	seq.s32 s10, $0x1;
	s10 =	sld [smem:$0x3FBA];
	_ =	sdelay $0x3  }
0x34: {  	[smem:$0x3FBA] =	sst s10  }
0x35: {  	s10 =	sld [smem:$0x3FB9];
	_ =	sdelay $0x3  }
0x36: {  	p1 =	seq.s32 s10, $0x1;
	s10 =	sld [smem:$0x3FBA];
	_ =	sdelay $0x3  }
0x37: {  	[smem:$0x3FBA] =	sst s10  }
0x38: {  	s10 =	sld [smem:$0x3FBB]  }
0x39: {  	_ = 	snop;
	(pc) =	sbr.ind lr, $3  }
0x3a: {  	_ = 	snop  }
0x3b: {  	_ = 	snop  }
0x3c: {  	p2 =	seq.s32 s10, $0x1;
	s10 =	sld [smem:$0x3FBA]  }
0x3d: {  	_ =	shalt  }
0x3e: {  	_ =	shalt  }
0x3f: {  	_ =	shalt  }
0x40: {  	_ =	shalt  }
0x41: {  	_ =	shalt  }
0x42: {  	_ =	shalt  }
0x43: {  	_ =	shalt  }
0x44: {  	_ =	shalt  }
0x45: {  	_ =	shalt  }
0x46: {  	_ =	shalt  }
0x47: {  	_ =	shalt  }
0x48: {  	_ =	shalt  }
0x49: {  	_ =	shalt  }
0x4a: {  	_ =	shalt  }
0x4b: {  	_ =	shalt  }
0x4c: {  	_ =	shalt  }
0x4d: {  	_ =	shalt  }
0x4e: {  	_ =	shalt  }
0x4f: {  	_ =	shalt  }
0x50: {  	_ =	shalt  }
0x51: {  	_ =	shalt  }
0x52: {  	_ =	shalt  }
0x53: {  	_ =	shalt  }
0x54: {  	_ =	shalt  }
0x55: {  	_ =	shalt  }
0x56: {  	_ =	shalt  }
0x57: {  	_ =	shalt  }
0x58: {  	_ =	shalt  }
0x59: {  	_ =	shalt  }
0x5a: {  	_ =	shalt  }
0x5b: {  	_ =	shalt  }
0x5c: {  	_ =	shalt  }
0x5d: {  	_ =	shalt  }
0x5e: {  	_ =	shalt  }
0x5f: {  	_ =	shalt  }
0x60: {  	_ =	shalt  }
0x61: {  	_ =	shalt  }
0x62: {  	_ =	shalt  }
0x63: {  	_ =	shalt  }
0x64: {  	_ =	shalt  }
0x65: {  	_ =	shalt  }
0x66: {  	_ =	shalt  }
0x67: {  	_ =	shalt  }
0x68: {  	_ =	shalt  }
0x69: {  	_ =	shalt  }
0x6a: {  	_ =	shalt  }
0x6b: {  	_ =	shalt  }
0x6c: {  	_ =	shalt  }
0x6d: {  	_ =	shalt  }
0x6e: {  	_ =	shalt  }
0x6f: {  	_ =	shalt  }
0x70: {  	_ =	shalt  }
0x71: {  	_ =	shalt  }
0x72: {  	_ =	shalt  }
0x73: {  	_ =	shalt  }
0x74: {  	_ =	shalt  }
0x75: {  	_ =	shalt  }
0x76: {  	_ =	shalt  }
0x77: {  	_ =	shalt  }
0x78: {  	_ =	shalt  }
0x79: {  	_ =	shalt  }
0x7a: {  	_ =	shalt  }
0x7b: {  	_ =	shalt  }
0x7c: {  	_ =	shalt  }
0x7d: {  	_ =	shalt  }
0x7e: {  	_ =	shalt  }
0x7f: {  	_ =	shalt  }
0x80: {  	_ =	shalt  }
0x81: {  	_ =	shalt  }
0x82: {  	_ =	shalt  }
0x83: {  	_ =	shalt  }
0x84: {  	_ =	shalt  }
0x85: {  	_ =	shalt  }
0x86: {  	_ =	shalt  }
0x87: {  	_ =	shalt  }
.Lfunc_end0:
.L_simem_size_0:
called_computation_lowered:
.L_overlay_start_0:
0x88: {  	s2 =	sld [smem:$0x3FD9]  }
0x89: {  	s3 =	sld [smem:$0x3FFE];
	_ =	sdelay $0x1  }
0x8a: {  	s1 =	srdreg.scid  }
0x8b: {  	s0 =	sand.u32 $0x1, s1  }
0x8c: {  	s18 =	sshll.u32 s0, $0xA;
	s2 =	sadd.s32 s3, s2  }
0x8d: {  	s2 =	sadd.s32 s2, s18  }
0x8e: {  	[smem:$0x3FC6] =	sst s2  }
0x8f: {  	_ = 	snop  }
0x90: {  	s2 =	sld [smem:$0x3FC9]  }
0x91: {  	s19 =	sld [smem:$0x3FC8]  }
0x92: {  	s4 =	sld [smem:$0x3FD0];
	(tm) =	ssettm $0x1  }
0x93: {  	s5 =	sld [smem:$0x3FFB];
	_ =	sdelay $0x3  }
0x94: {  	_ =	strace s5  }
0x95: {  	s5 =	sld [smem:$0x3FFC];
	_ =	sdelay $0x3  }
0x96: {  	_ =	strace s5  }
0x97: {  	s5 =	sld [smem:$0x3FFD];
	_ =	sdelay $0x3  }
0x98: {  	_ =	strace s5  }
0x99: {  	_ =	strace $0x8FFFFFFF  }
0x9a: {  	s20 =	sld [smem:$0x3FDB];
	_ =	sdelay $0x1  }
0x9b: {  	s6 =	simm.s32 $_scs_section_size  }
0x9c: {  	s7 =	simm.s32 $_size__tile_overlayer_lowered;
	s8 =	simm.s32 $_tile_overlayer_lowered  }
0x9d: {  	s23 =	simm.s32 $0x1BFF;
	s22 =	sshll.u32 s8, $0x1;
	s5 =	sadd.s32 s6, s20  }
0x9e: {  	s9 =	simm.s32 $0x0;
	s21 =	sshll.u32 s7, $0x1;
	s7 =	sadd.s32 s22, s5  }
0x9f: {  	[timem:s9], [sflag:s23] =	dma.local [hbm:s7], s21  }
0xa0: {  	_ =	swait.ge [sflag:s23], s21  }
0xa1: {  	s6 =	ssub.s32 $0x0, s21;
	[sflag:s23] =	ssyncset.done $0x0  }
0xa2: {  	[sflag:s23] =	ssyncadd.s32 s6;
	_ =	sdelay $0x1  }
0xa3: {  	s24 =	simm.s32 $0x1B8B  }
0xa4: {  	_ =	swait.ge [sflag:s24], $0x1  }
0xa5: {  	[sflag:s24] =	ssyncset.done $0x0  }
0xa6: {  	s25 =	simm.s32 $0x1B8E;
	[sflag:s24] =	ssyncadd.s32 $0xFFFFFFFF  }
0xa7: {  	s26 =	simm.s32 $execute0_lowered;
	[smem:$0x3FD2] =	sst s25  }
0xa8: {  	s6 =	sshll.u32 s26, $0x1;
	_ =	strace $0x80000046;
	[dreg:$0x1] =	wrdreg $0xFFFFFFFF  }
0xa9: {  	s28 =	simm.s32 $_size_execute0_lowered;
	s5 =	sadd.s32 s5, s6;
	[dreg:$0x0] =	wrdreg $0x0  }
0xaa: {  	s6 =	sshll.u32 s28, $0x1;
	[dreg:$0x2] =	wrdreg s5  }
0xab: {  	[dreg:$0x3] =	wrdreg s6  }
0xac: {  	[dreg:$0x4] =	wrdreg $0xC0  }
0xad: {  	_ =	task [dreg:s9], $0x5FFFF  }
0xae: {  	[dreg:$0x1] =	wrdreg $0xFFFFFFFF  }
0xaf: {  	[dreg:$0x0] =	wrdreg $0x60  }
0xb0: {  	[dreg:$0x2] =	wrdreg s2  }
0xb1: {  	[dreg:$0x3] =	wrdreg s19  }
0xb2: {  	[dreg:$0x4] =	wrdreg s4  }
0xb3: {  	[dreg:$0x5] =	wrdreg $0x9  }
0xb4: {  	_ =	task.clear_ibuf [dreg:s9], $0x6FFFF;
	_ =	strace $0x90000046  }
0xb5: {  	s29 =	simm.s32 $0x9;
	_ =	strace $0x80000048  }
0xb6: {  	_ =	swait.ge [sflag:s29], $0x1  }
0xb7: {  	[sflag:s29] =	ssyncadd.s32 $0xFFFFFFFF  }
0xb8: {  	_ =	strace $0x90000048  }
0xb9: {  	_ =	sfence  }
0xba: {  	s30 =	sld [smem:$0x0];
	_ =	sdelay $0x2  }
0xbb: {  	s31 =	sshll.u32 s1, $0xD;
	s1 =	sshrl.u32 s1, $0x2  }
0xbc: {  	s3 =	sand.u32 $0x4000, s31;
	s1 =	sadd.s32 s1, s30  }
0xbd: {  	s0 =	sor.u32 s3, s0;
	s1 =	sshll.u32 s1, $0x11  }
0xbe: {  	s0 =	sor.u32 s1, s0  }
0xbf: {  	s0 =	sadd.s32 $0x8F2B, s0  }
0xc0: {  	[sflag:s0] =	ssyncadd.remote.s32 $0x1  }
0xc1: {  	_ =	sfence.sel $0xFFFF  }
0xc2: {  	[dreg:$0x0] =	wrdreg $0xFFFFFFFF;
	(pc) =	sbr.abs _section_cstart, $3  }
0xc3: {  	[dreg:$0x1] =	wrdreg $0xFFFFFFFF  }
0xc4: {  	_ =	task.clear_ibuf [dreg:s9], $0x2FFFF;
	_ =	strace $0x9FFFFFFF  }
0xc5: {  	(tm) =	ssettm $0x7FFFFFFF  }
tec
execute0_lowered:
.L_overlay_start_1:
0x0: {  	(tag) =	ssettag $0x1  }
0x1: {  	s1 =	rddreg [dreg:$0x0]  }
0x2: {  	s0 =	rddreg [dreg:$0x1]  }
0x3: {  	s3 =	rddreg [dreg:$0x2]  }
0x4: {  	s2 =	srdreg.scid;
	s4 =	simm.s32 $0x0;
	s7 =	stileid.u32  }
0x5: {  	s28 =	simm.s32 $0x19000;
	s29 =	simm.s32 $0x1A000;
	s30 =	simm.s32 $0x3  }
0x6: {  	s31 =	simm.s32 $0x4;
	s8 =	simm.s32 $0x1D000;
	s9 =	simm.s32 $0x1E000  }
0x7: {  	s2 =	sand.u32 $0x1, s2;
	[smem:$0x7FF] =	sst s4;
	s5 =	sshll.u32 s7, $0x1  }
0x8: {  	s17 =	sshll.u32 s7, $0x3;
	s16 =	ssub.s32 $0x2, s2;
	s2 =	sor.u32 s2, s5  }
0x9: {  	_ =	strace $0x80000047;
	s6 =	sshrl.u32 s16, $0x1;
	s18 =	sshll.u32 s2, $0x12  }
0xa: {  	s4 =	ssub.s32 s16, s6;
	s6 =	sand.u32 $0x70, s17;
	s7 =	sadd.s32 s1, s18  }
0xb: {  	s5 =	sshll.u32 s2, $0x7;
	s0 =	sadd.s32 s0, s6;
	[dreg:$0x4] =	wrdreg s7  }
0xc: {  	s20 =	sshll.u32 s2, $0x10;
	s19 =	sadd.s32 $0x10, s7;
	[dreg:$0x5] =	wrdreg s0  }
0xd: {  	s2 =	simm.s32 $0x1C000;
	s21 =	sadd.s32 $0x20, s7;
	[dreg:$0x6] =	wrdreg s19  }
0xe: {  	s16 =	simm.s32 $0x80;
	s22 =	sadd.s32 $0x30, s7;
	[dreg:$0x7] =	wrdreg s21  }
0xf: {  	s17 =	simm.s32 $0x400;
	s23 =	sadd.s32 $0x40, s7;
	[dreg:$0x8] =	wrdreg s22  }
0x10: {  	s24 =	sadd.s32 $0x50, s7;
	s26 =	smax.u32 s4, $0x1;
	[dreg:$0x9] =	wrdreg s23  }
0x11: {  	s4 =	simm.s32 $0x5;
	s7 =	simm.s32 $0x6;
	[dreg:$0xa] =	wrdreg s24  }
0x12: {  	s6 =	simm.s32 $0x0;
	s0 =	sadd.s32 s20, s3;
	[dreg:$0xd] =	wrdreg s26  }
0x13: {  	s19 =	simm.s32 $0x1000;
	s20 =	simm.s32 $0x5000;
	s21 =	simm.s32 $0x9000  }
0x14: {  	s22 =	simm.s32 $0xD000;
	s23 =	simm.s32 $0x11000;
	s25 =	sadd.s32 $0xF060, s0  }
0x15: {  	s24 =	simm.s32 $0x15000;
	s0 =	sadd.s32 $0xF070, s0;
	[dreg:$0xb] =	wrdreg s25  }
0x16: {  	s26 =	simm.s32 $0x2;
	[dreg:$0xc] =	wrdreg s0;
	s25 =	simm.s32 $0x1  }
.LBB2_1:
0x17: {  	[dreg:$0xe] =	wrdreg s6  }
0x18: {  	s0 =	simm.s32 $0x0;
	s18 =	rddreg [dreg:$0x5];
	s10 =	simm.s32 $0xD  }
0x19: {  	[tilespmem:s0], [sflag:$0xD] =	stream.strided.gather [hbm4b:s18+s16], $0x1000, s17, s16, $0x38;
	[tilespmem:$0x1F000] =	vst v63  }
0x1a: {  	_ =	swait.ge [sflag:s10], $0x1000  }
0x1b: {  	[sflag:s10] =	ssyncset.done $0x0  }
0x1c: {  	s11 =	rddreg [dreg:$0x4];
	[sflag:s10] =	ssyncadd.s32 $0xFFFFF000  }
0x1d: {  	[tilespmem:s19], [sflag:$0x1] =	stream.strided.gather [hbm4b:s11+s16], $0x4000, s17, s16, $0x38;
	[tilespmem:$0x1F000] =	vst v63  }
0x1e: {  	s12 =	rddreg [dreg:$0x6]  }
0x1f: {  	[tilespmem:s20], [sflag:$0x2] =	stream.strided.gather [hbm4b:s12+s16], $0x4000, s17, s16, $0x38;
	[tilespmem:$0x1F000] =	vst v63  }
0x20: {  	s13 =	rddreg [dreg:$0x7]  }
0x21: {  	[tilespmem:s21], [sflag:$0x3] =	stream.strided.gather [hbm4b:s13+s16], $0x4000, s17, s16, $0x38;
	[tilespmem:$0x1F000] =	vst v63  }
0x22: {  	s14 =	rddreg [dreg:$0x8]  }
0x23: {  	[tilespmem:s22], [sflag:$0x4] =	stream.strided.gather [hbm4b:s14+s16], $0x4000, s17, s16, $0x38;
	[tilespmem:$0x1F000] =	vst v63  }
0x24: {  	s15 =	rddreg [dreg:$0x9]  }
0x25: {  	[tilespmem:s23], [sflag:$0x5] =	stream.strided.gather [hbm4b:s15+s16], $0x4000, s17, s16, $0x38;
	[tilespmem:$0x1F000] =	vst v63  }
0x26: {  	s18 =	rddreg [dreg:$0xa]  }
0x27: {  	[tilespmem:s24], [sflag:$0x6] =	stream.strided.gather [hbm4b:s18+s16], $0x4000, s17, s16, $0x38;
	[tilespmem:$0x1F000] =	vst v63  }
0x28: {  	s18 =	simm.s32 $0x0  }
.LBB2_2:
0x29: {  	_ =	swait.ge [sflag:s25], $0x4000  }
0x2a: {  	[sflag:s25] =	ssyncset.done $0x0  }
0x2b: {  	[sflag:s25] =	ssyncadd.s32 $0xFFFFC000  }
0x2c: {  	_ =	swait.ge [sflag:s26], $0x4000  }
0x2d: {  	p0 =	seq.s32 s18, $0x0;
	[sflag:s26] =	ssyncset.done $0x0  }
0x2e: {  	s0 =	simm.s32 @!p0 $0x7;
	[sflag:s26] =	ssyncadd.s32 $0xFFFFC000  }
0x2f: {  	_ =	swait.ge @!p0 [sflag:s0], $0x1000  }
0x30: {  	[sflag:s0] =	ssyncset.done @!p0 $0x0  }
0x31: {  	[sflag:s0] =	ssyncadd.s32 @!p0 $0xFFFFF000;
	s0 =	simm.s32 @!p0 $0x8  }
0x32: {  	_ =	swait.ge @!p0 [sflag:s0], $0x1000  }
0x33: {  	[sflag:s0] =	ssyncset.done @!p0 $0x0  }
0x34: {  	s10 =	simm.s32 $0x40;
	[sflag:s0] =	ssyncadd.s32 @!p0 $0xFFFFF000  }
0x35: {  	v0 =	vld [tilespmem:s10+$0x30]  }
0x36: {  	v1 =	vld [tilespmem:s10+$0xFFFFFFD0]  }
0x37: {  	v2 =	vld [tilespmem:s10+$0xFFFFFFE0]  }
0x38: {  	v3 =	vld [tilespmem:s10+$0xFFFFFFF0]  }
0x39: {  	v4 =	vld [tilespmem:s10+$0x0]  }
0x3a: {  	v5 =	vld [tilespmem:s10+$0x10]  }
0x3b: {  	v6 =	vld [tilespmem:s10+$0x20]  }
0x3c: {  	v7 =	vld [tilespmem:s10+$0xFFFFFFC0]  }
0x3d: {  	v8 =	vld.idx.msk [tilespmem:v0+s19+$0x0], $0xffff  }
0x3e: {  	v9 =	vld.idx.msk [tilespmem:v1+s19+$0x0], $0xffff  }
0x3f: {  	v10 =	vld.idx.msk [tilespmem:v2+s19+$0x0], $0xffff  }
0x40: {  	v11 =	vld.idx.msk [tilespmem:v3+s19+$0x0], $0xffff  }
0x41: {  	v12 =	vld.idx.msk [tilespmem:v4+s19+$0x0], $0xffff  }
0x42: {  	s14 =	simm.s32 $0x19040;
	v13 =	vld.idx.msk [tilespmem:v5+s19+$0x0], $0xffff  }
0x43: {  	v14 =	vld.idx.msk [tilespmem:v6+s19+$0x0], $0xffff;
	[tilespmem:s14+$0x30] =	vst v8  }
0x44: {  	v62 =	vld.idx.msk [tilespmem:v7+s19+$0x0], $0xffff;
	[tilespmem:s14+$0xFFFFFFD0] =	vst v9  }
0x45: {  	[tilespmem:s14+$0xFFFFFFE0] =	vst v10;
	v8 =	vld.idx.msk [tilespmem:v0+s20+$0x0], $0xffff  }
0x46: {  	[tilespmem:s14+$0xFFFFFFF0] =	vst v11;
	v63 =	vld.idx.msk [tilespmem:v1+s20+$0x0], $0xffff  }
0x47: {  	[tilespmem:s14+$0x0] =	vst v12;
	v0 =	vld.idx.msk [tilespmem:v2+s20+$0x0], $0xffff  }
0x48: {  	[tilespmem:s14+$0x10] =	vst v13;
	v1 =	vld.idx.msk [tilespmem:v3+s20+$0x0], $0xffff  }
0x49: {  	s12 =	smul.u32 $0x6, s18;
	[tilespmem:s14+$0x20] =	vst v14;
	v2 =	vld.idx.msk [tilespmem:v4+s20+$0x0], $0xffff  }
0x4a: {  	s15 =	simm.s32 $0x1A040;
	s11 =	smul.u32 $0x300, s18;
	[tilespmem:s14+$0xFFFFFFC0] =	vst v62;
	v3 =	vld.idx.msk [tilespmem:v5+s20+$0x0], $0xffff  }
0x4b: {  	s6 =	simm.s32 $0xC0;
	v4 =	vld.idx.msk [tilespmem:v6+s20+$0x0], $0xffff;
	[tilespmem:s15+$0x30] =	vst v8  }
0x4c: {  	s13 =	sadd.s32 s5, s12;
	s10 =	sand.u32 $0x300, s11;
	s11 =	simm.s32 $0x0;
	v5 =	vld.idx.msk [tilespmem:v7+s20+$0x0], $0xffff;
	[tilespmem:s15+$0xFFFFFFD0] =	vst v63  }
.LBB2_3:
0x4d: {  	v6 =	vld [tilespmem:s6+$0x30];
	s11 =	sadd.s32 $0x80, s11;
	[tilespmem:s15+$0xFFFFFFE0] =	vst v0  }
0x4e: {  	v0 =	vld [tilespmem:s6+$0xFFFFFFD0];
	p1 =	slt.u32 s11, $0xF80;
	[tilespmem:s15+$0xFFFFFFF0] =	vst v1  }
0x4f: {  	v1 =	vld [tilespmem:s6+$0xFFFFFFE0];
	[tilespmem:s15+$0x0] =	vst v2  }
0x50: {  	v2 =	vld [tilespmem:s6+$0xFFFFFFF0];
	[tilespmem:s15+$0x10] =	vst v3  }
0x51: {  	v3 =	vld [tilespmem:s6+$0x0];
	[tilespmem:s15+$0x20] =	vst v4  }
0x52: {  	v4 =	vld [tilespmem:s6+$0x10];
	[tilespmem:s15+$0xFFFFFFC0] =	vst v5  }
0x53: {  	v5 =	vld [tilespmem:s6+$0x20]  }
0x54: {  	v7 =	vld [tilespmem:s6+$0xFFFFFFC0]  }
0x55: {  	v8 =	vld.idx.msk [tilespmem:v6+s19+$0x0], $0xffff  }
0x56: {  	v9 =	vld.idx.msk [tilespmem:v0+s19+$0x0], $0xffff  }
0x57: {  	v10 =	vld.idx.msk [tilespmem:v1+s19+$0x0], $0xffff  }
0x58: {  	v11 =	vld.idx.msk [tilespmem:v2+s19+$0x0], $0xffff  }
0x59: {  	v12 =	vld.idx.msk [tilespmem:v3+s19+$0x0], $0xffff  }
0x5a: {  	s14 =	sadd.s32 $0x80, s14;
	v13 =	vld.idx.msk [tilespmem:v4+s19+$0x0], $0xffff  }
0x5b: {  	v14 =	vld.idx.msk [tilespmem:v5+s19+$0x0], $0xffff;
	[tilespmem:s14+$0x30] =	vst v8  }
0x5c: {  	[tilespmem:s14+$0xFFFFFFD0] =	vst v9;
	v6 =	vld.idx.msk [tilespmem:v6+s20+$0x0], $0xffff  }
0x5d: {  	v8 =	vld.idx.msk [tilespmem:v7+s19+$0x0], $0xffff;
	[tilespmem:s14+$0xFFFFFFE0] =	vst v10  }
0x5e: {  	v9 =	vld.idx.msk [tilespmem:v0+s20+$0x0], $0xffff;
	[tilespmem:s14+$0xFFFFFFF0] =	vst v11  }
0x5f: {  	v0 =	vld.idx.msk [tilespmem:v1+s20+$0x0], $0xffff;
	[tilespmem:s14+$0x0] =	vst v12  }
.Ltmp0:
0x60: {  	v1 =	vld.idx.msk [tilespmem:v2+s20+$0x0], $0xffff;
	[tilespmem:s14+$0x10] =	vst v13;
	(pc) =	sbr.rel @p1 .LBB2_3-.Ltmp0, $4  }
0x61: {  	s15 =	sadd.s32 $0x80, s15;
	v2 =	vld.idx.msk [tilespmem:v3+s20+$0x0], $0xffff;
	[tilespmem:s14+$0x20] =	vst v14  }
0x62: {  	v3 =	vld.idx.msk [tilespmem:v4+s20+$0x0], $0xffff;
	[tilespmem:s15+$0x30] =	vst v6  }
0x63: {  	[tilespmem:s14+$0xFFFFFFC0] =	vst v8;
	v4 =	vld.idx.msk [tilespmem:v5+s20+$0x0], $0xffff  }
0x64: {  	s6 =	sadd.s32 $0x80, s6;
	v5 =	vld.idx.msk [tilespmem:v7+s20+$0x0], $0xffff;
	[tilespmem:s15+$0xFFFFFFD0] =	vst v9  }
0x65: {  	[tilespmem:s15+$0xFFFFFFE0] =	vst v0  }
0x66: {  	[tilespmem:s15+$0xFFFFFFF0] =	vst v1;
	s0 =	sshll.u32 s13, $0xC  }
0x67: {  	[tilespmem:s15+$0x0] =	vst v2;
	s0 =	sand.u32 $0x7FFF8000, s0  }
0x68: {  	[tilespmem:s15+$0x10] =	vst v3;
	s0 =	sor.u32 s10, s0  }
0x69: {  	[tilespmem:s15+$0x20] =	vst v4;
	s0 =	sshrl.u32 s0, $0x3  }
0x6a: {  	s11 =	sadd.s32 $0x6, s13;
	[tilespmem:s15+$0xFFFFFFC0] =	vst v5;
	s0 =	sadd.s32 s3, s0  }
0x6b: {  	[hbm4b:s0+s16] =	stream.strided.scatter [tilespmem:s28], [sflag:$0x7], $0x1000, s17, s16, $0x38;
	[tilespmem:$0x1F000] =	vst v63  }
0x6c: {  	s6 =	sshll.u32 s11, $0x4;
	s0 =	sadd.s32 $0x10, s0  }
0x6d: {  	[hbm4b:s0+s16] =	stream.strided.scatter [tilespmem:s29], [sflag:$0x8], $0x1000, s17, s16, $0x38;
	[tilespmem:$0x1F000] =	vst v63  }
0x6e: {  	s6 =	sand.u32 $0x60, s6;
	s0 =	sshll.u32 s11, $0xB  }
0x6f: {  	s14 =	sadd.s32 $0x7, s13;
	s6 =	sadd.s32 s1, s6;
	s0 =	sand.u32 $0xFFFC000, s0  }
0x70: {  	s15 =	sshll.u32 s14, $0x4;
	s0 =	sadd.s32 s0, s6  }
0x71: {  	[tilespmem:s19], [sflag:$0x1] =	stream.strided.gather [hbm4b:s0+s16], $0x4000, s17, s16, $0x38;
	[tilespmem:$0x1F000] =	vst v63  }
0x72: {  	s6 =	sand.u32 $0x70, s15;
	s0 =	sshll.u32 s14, $0xB  }
0x73: {  	s6 =	sadd.s32 s1, s6;
	s0 =	sand.u32 $0xFFFC000, s0  }
0x74: {  	s0 =	sadd.s32 s0, s6  }
0x75: {  	[tilespmem:s20], [sflag:$0x2] =	stream.strided.gather [hbm4b:s0+s16], $0x4000, s17, s16, $0x38;
	[tilespmem:$0x1F000] =	vst v63  }
0x76: {  	_ =	swait.ge [sflag:s30], $0x4000  }
0x77: {  	[sflag:s30] =	ssyncset.done $0x0  }
0x78: {  	[sflag:s30] =	ssyncadd.s32 $0xFFFFC000  }
0x79: {  	_ =	swait.ge [sflag:s31], $0x4000  }
0x7a: {  	[sflag:s31] =	ssyncset.done $0x0  }
0x7b: {  	s0 =	simm.s32 @!p0 $0x9;
	[sflag:s31] =	ssyncadd.s32 $0xFFFFC000  }
0x7c: {  	_ =	swait.ge @!p0 [sflag:s0], $0x1000  }
0x7d: {  	[sflag:s0] =	ssyncset.done @!p0 $0x0  }
0x7e: {  	[sflag:s0] =	ssyncadd.s32 @!p0 $0xFFFFF000;
	s0 =	simm.s32 @!p0 $0xA  }
0x7f: {  	_ =	swait.ge @!p0 [sflag:s0], $0x1000  }
0x80: {  	[sflag:s0] =	ssyncset.done @!p0 $0x0  }
0x81: {  	s6 =	simm.s32 $0x40;
	[sflag:s0] =	ssyncadd.s32 @!p0 $0xFFFFF000  }
0x82: {  	v0 =	vld [tilespmem:s6+$0x30]  }
0x83: {  	v1 =	vld [tilespmem:s6+$0xFFFFFFD0]  }
0x84: {  	v2 =	vld [tilespmem:s6+$0xFFFFFFE0]  }
0x85: {  	v3 =	vld [tilespmem:s6+$0xFFFFFFF0]  }
0x86: {  	v4 =	vld [tilespmem:s6+$0x0]  }
0x87: {  	v5 =	vld [tilespmem:s6+$0x10]  }
0x88: {  	v6 =	vld [tilespmem:s6+$0x20]  }
0x89: {  	v7 =	vld [tilespmem:s6+$0xFFFFFFC0]  }
0x8a: {  	v8 =	vld.idx.msk [tilespmem:v0+s21+$0x0], $0xffff  }
0x8b: {  	v9 =	vld.idx.msk [tilespmem:v1+s21+$0x0], $0xffff  }
0x8c: {  	v10 =	vld.idx.msk [tilespmem:v2+s21+$0x0], $0xffff  }
0x8d: {  	v11 =	vld.idx.msk [tilespmem:v3+s21+$0x0], $0xffff  }
0x8e: {  	v12 =	vld.idx.msk [tilespmem:v4+s21+$0x0], $0xffff  }
0x8f: {  	s14 =	simm.s32 $0x1B040;
	v13 =	vld.idx.msk [tilespmem:v5+s21+$0x0], $0xffff  }
0x90: {  	v14 =	vld.idx.msk [tilespmem:v6+s21+$0x0], $0xffff;
	[tilespmem:s14+$0x30] =	vst v8  }
0x91: {  	v62 =	vld.idx.msk [tilespmem:v7+s21+$0x0], $0xffff;
	[tilespmem:s14+$0xFFFFFFD0] =	vst v9  }
0x92: {  	[tilespmem:s14+$0xFFFFFFE0] =	vst v10;
	v8 =	vld.idx.msk [tilespmem:v0+s22+$0x0], $0xffff  }
0x93: {  	[tilespmem:s14+$0xFFFFFFF0] =	vst v11;
	v63 =	vld.idx.msk [tilespmem:v1+s22+$0x0], $0xffff  }
0x94: {  	[tilespmem:s14+$0x0] =	vst v12;
	v0 =	vld.idx.msk [tilespmem:v2+s22+$0x0], $0xffff  }
0x95: {  	[tilespmem:s14+$0x10] =	vst v13;
	v1 =	vld.idx.msk [tilespmem:v3+s22+$0x0], $0xffff  }
0x96: {  	s10 =	sadd.s32 $0x2, s12;
	[tilespmem:s14+$0x20] =	vst v14;
	v2 =	vld.idx.msk [tilespmem:v4+s22+$0x0], $0xffff  }
0x97: {  	s11 =	sshll.u32 s10, $0x4;
	s15 =	simm.s32 $0x1C040;
	[tilespmem:s14+$0xFFFFFFC0] =	vst v62;
	v3 =	vld.idx.msk [tilespmem:v5+s22+$0x0], $0xffff  }
0x98: {  	s13 =	sadd.s32 s5, s10;
	s11 =	sand.u32 $0x60, s11;
	v5 =	vld.idx.msk [tilespmem:v6+s22+$0x0], $0xffff;
	[tilespmem:s15+$0x30] =	vst v8  }
0x99: {  	s10 =	sor.u32 $0x10, s11;
	s0 =	simm.s32 $0xC0;
	s6 =	simm.s32 $0x0;
	v4 =	vld.idx.msk [tilespmem:v7+s22+$0x0], $0xffff;
	[tilespmem:s15+$0xFFFFFFD0] =	vst v63  }
.LBB2_5:
0x9a: {  	v6 =	vld [tilespmem:s0+$0x30];
	s6 =	sadd.s32 $0x80, s6;
	[tilespmem:s15+$0xFFFFFFE0] =	vst v0  }
0x9b: {  	v0 =	vld [tilespmem:s0+$0xFFFFFFD0];
	p1 =	slt.u32 s6, $0xF80;
	[tilespmem:s15+$0xFFFFFFF0] =	vst v1  }
0x9c: {  	v1 =	vld [tilespmem:s0+$0xFFFFFFE0];
	[tilespmem:s15+$0x0] =	vst v2  }
0x9d: {  	v2 =	vld [tilespmem:s0+$0xFFFFFFF0];
	[tilespmem:s15+$0x10] =	vst v3  }
0x9e: {  	v3 =	vld [tilespmem:s0+$0x0];
	[tilespmem:s15+$0x20] =	vst v5  }
0x9f: {  	v5 =	vld [tilespmem:s0+$0x10];
	[tilespmem:s15+$0xFFFFFFC0] =	vst v4  }
0xa0: {  	v4 =	vld [tilespmem:s0+$0x20]  }
0xa1: {  	v7 =	vld [tilespmem:s0+$0xFFFFFFC0]  }
0xa2: {  	v8 =	vld.idx.msk [tilespmem:v6+s21+$0x0], $0xffff  }
0xa3: {  	v9 =	vld.idx.msk [tilespmem:v0+s21+$0x0], $0xffff  }
0xa4: {  	v10 =	vld.idx.msk [tilespmem:v1+s21+$0x0], $0xffff  }
0xa5: {  	v11 =	vld.idx.msk [tilespmem:v2+s21+$0x0], $0xffff  }
0xa6: {  	v12 =	vld.idx.msk [tilespmem:v3+s21+$0x0], $0xffff  }
0xa7: {  	s14 =	sadd.s32 $0x80, s14;
	v13 =	vld.idx.msk [tilespmem:v5+s21+$0x0], $0xffff  }
0xa8: {  	v14 =	vld.idx.msk [tilespmem:v4+s21+$0x0], $0xffff;
	[tilespmem:s14+$0x30] =	vst v8  }
0xa9: {  	[tilespmem:s14+$0xFFFFFFD0] =	vst v9;
	v6 =	vld.idx.msk [tilespmem:v6+s22+$0x0], $0xffff  }
0xaa: {  	v8 =	vld.idx.msk [tilespmem:v7+s21+$0x0], $0xffff;
	[tilespmem:s14+$0xFFFFFFE0] =	vst v10  }
0xab: {  	v9 =	vld.idx.msk [tilespmem:v0+s22+$0x0], $0xffff;
	[tilespmem:s14+$0xFFFFFFF0] =	vst v11  }
0xac: {  	v0 =	vld.idx.msk [tilespmem:v1+s22+$0x0], $0xffff;
	[tilespmem:s14+$0x0] =	vst v12  }
.Ltmp1:
0xad: {  	v1 =	vld.idx.msk [tilespmem:v2+s22+$0x0], $0xffff;
	[tilespmem:s14+$0x10] =	vst v13;
	(pc) =	sbr.rel @p1 .LBB2_5-.Ltmp1, $4  }
0xae: {  	s15 =	sadd.s32 $0x80, s15;
	v2 =	vld.idx.msk [tilespmem:v3+s22+$0x0], $0xffff;
	[tilespmem:s14+$0x20] =	vst v14  }
0xaf: {  	v3 =	vld.idx.msk [tilespmem:v5+s22+$0x0], $0xffff;
	[tilespmem:s15+$0x30] =	vst v6  }
0xb0: {  	[tilespmem:s14+$0xFFFFFFC0] =	vst v8;
	v5 =	vld.idx.msk [tilespmem:v4+s22+$0x0], $0xffff  }
0xb1: {  	s0 =	sadd.s32 $0x80, s0;
	v4 =	vld.idx.msk [tilespmem:v7+s22+$0x0], $0xffff;
	[tilespmem:s15+$0xFFFFFFD0] =	vst v9  }
0xb2: {  	[tilespmem:s15+$0xFFFFFFE0] =	vst v0  }
0xb3: {  	[tilespmem:s15+$0xFFFFFFF0] =	vst v1  }
0xb4: {  	[tilespmem:s15+$0x0] =	vst v2  }
0xb5: {  	s0 =	sshll.u32 s13, $0x9;
	[tilespmem:s15+$0x10] =	vst v3  }
0xb6: {  	s6 =	sadd.s32 s3, s11;
	s0 =	sand.u32 $0xFFFF000, s0;
	[tilespmem:s15+$0x20] =	vst v5  }
0xb7: {  	s10 =	sadd.s32 s3, s10;
	s6 =	sadd.s32 s0, s6;
	[tilespmem:s15+$0xFFFFFFC0] =	vst v4;
	s15 =	simm.s32 $0x1B000  }
0xb8: {  	[hbm4b:s6+s16] =	stream.strided.scatter [tilespmem:s15], [sflag:$0x9], $0x1000, s17, s16, $0x38;
	[tilespmem:$0x1F000] =	vst v63  }
0xb9: {  	p1 =	seq.s32 s18, $0x14;
	s0 =	sadd.s32 s0, s10  }
0xba: {  	[hbm4b:s0+s16] =	stream.strided.scatter [tilespmem:s2], [sflag:$0xA], $0x1000, s17, s16, $0x38;
	[tilespmem:$0x1F000] =	vst v63  }
0xbb: {  	s0 =	sadd.s32 @!p1 $0x6, s13  }
0xbc: {  	s6 =	sshll.u32 @!p1 s0, $0x4  }
0xbd: {  	s0 =	sshll.u32 @!p1 s0, $0xB;
	s6 =	sand.u32 @!p1 $0x60, s6  }
0xbe: {  	s11 =	simm.s32 @!p1 $0x9000;
	s0 =	sand.u32 @!p1 $0xFFFC000, s0;
	s6 =	sadd.s32 @!p1 s1, s6  }
0xbf: {  	s10 =	simm.s32 @!p1 $0x400;
	s0 =	sadd.s32 @!p1 s0, s6;
	s6 =	simm.s32 @!p1 $0x80  }
0xc0: {  	[tilespmem:s11], [sflag:$0x3] =	stream.strided.gather @!p1 [hbm4b:s0+s6], $0x4000, s10, s6, $0x38;
	[tilespmem:$0x1F000] =	vst v63  }
0xc1: {  	s0 =	sadd.s32 @!p1 $0x7, s13  }
0xc2: {  	s11 =	sshll.u32 @!p1 s0, $0x4  }
0xc3: {  	s0 =	sshll.u32 @!p1 s0, $0xB;
	s11 =	sand.u32 @!p1 $0x70, s11  }
0xc4: {  	s0 =	sand.u32 @!p1 $0xFFFC000, s0;
	s11 =	sadd.s32 @!p1 s1, s11  }
0xc5: {  	s0 =	sadd.s32 @!p1 s0, s11;
	s11 =	simm.s32 @!p1 $0xD000  }
0xc6: {  	[tilespmem:s11], [sflag:$0x4] =	stream.strided.gather @!p1 [hbm4b:s0+s6], $0x4000, s10, s6, $0x38;
	[tilespmem:$0x1F000] =	vst v63  }
0xc7: {  	_ =	swait.ge [sflag:s4], $0x4000  }
0xc8: {  	[sflag:s4] =	ssyncset.done $0x0  }
0xc9: {  	[sflag:s4] =	ssyncadd.s32 $0xFFFFC000  }
0xca: {  	_ =	swait.ge [sflag:s7], $0x4000  }
0xcb: {  	[sflag:s7] =	ssyncset.done $0x0  }
0xcc: {  	s0 =	simm.s32 @!p0 $0xB;
	[sflag:s7] =	ssyncadd.s32 $0xFFFFC000  }
0xcd: {  	_ =	swait.ge @!p0 [sflag:s0], $0x1000  }
0xce: {  	[sflag:s0] =	ssyncset.done @!p0 $0x0  }
0xcf: {  	[sflag:s0] =	ssyncadd.s32 @!p0 $0xFFFFF000;
	s0 =	simm.s32 @!p0 $0xC  }
0xd0: {  	_ =	swait.ge @!p0 [sflag:s0], $0x1000  }
0xd1: {  	[sflag:s0] =	ssyncset.done @!p0 $0x0  }
0xd2: {  	s11 =	simm.s32 $0x40;
	[sflag:s0] =	ssyncadd.s32 @!p0 $0xFFFFF000  }
0xd3: {  	v0 =	vld [tilespmem:s11+$0x30]  }
0xd4: {  	v1 =	vld [tilespmem:s11+$0xFFFFFFD0]  }
0xd5: {  	v2 =	vld [tilespmem:s11+$0xFFFFFFE0]  }
0xd6: {  	v3 =	vld [tilespmem:s11+$0xFFFFFFF0]  }
0xd7: {  	v4 =	vld [tilespmem:s11+$0x0]  }
0xd8: {  	v5 =	vld [tilespmem:s11+$0x10]  }
0xd9: {  	v6 =	vld [tilespmem:s11+$0x20]  }
0xda: {  	v7 =	vld [tilespmem:s11+$0xFFFFFFC0]  }
0xdb: {  	v8 =	vld.idx.msk [tilespmem:v0+s23+$0x0], $0xffff  }
0xdc: {  	v9 =	vld.idx.msk [tilespmem:v1+s23+$0x0], $0xffff  }
0xdd: {  	v10 =	vld.idx.msk [tilespmem:v2+s23+$0x0], $0xffff  }
0xde: {  	v11 =	vld.idx.msk [tilespmem:v3+s23+$0x0], $0xffff  }
0xdf: {  	v12 =	vld.idx.msk [tilespmem:v4+s23+$0x0], $0xffff  }
0xe0: {  	s13 =	simm.s32 $0x1D040;
	v13 =	vld.idx.msk [tilespmem:v5+s23+$0x0], $0xffff  }
0xe1: {  	v14 =	vld.idx.msk [tilespmem:v6+s23+$0x0], $0xffff;
	[tilespmem:s13+$0x30] =	vst v8  }
0xe2: {  	v62 =	vld.idx.msk [tilespmem:v7+s23+$0x0], $0xffff;
	[tilespmem:s13+$0xFFFFFFD0] =	vst v9  }
0xe3: {  	[tilespmem:s13+$0xFFFFFFE0] =	vst v10;
	v8 =	vld.idx.msk [tilespmem:v0+s24+$0x0], $0xffff  }
0xe4: {  	[tilespmem:s13+$0xFFFFFFF0] =	vst v11;
	v63 =	vld.idx.msk [tilespmem:v1+s24+$0x0], $0xffff  }
0xe5: {  	[tilespmem:s13+$0x0] =	vst v12;
	v0 =	vld.idx.msk [tilespmem:v2+s24+$0x0], $0xffff  }
0xe6: {  	[tilespmem:s13+$0x10] =	vst v13;
	v1 =	vld.idx.msk [tilespmem:v3+s24+$0x0], $0xffff  }
0xe7: {  	s12 =	sadd.s32 $0x4, s12;
	[tilespmem:s13+$0x20] =	vst v14;
	v2 =	vld.idx.msk [tilespmem:v4+s24+$0x0], $0xffff  }
0xe8: {  	s14 =	simm.s32 $0x1E040;
	s15 =	sshll.u32 s12, $0x4;
	[tilespmem:s13+$0xFFFFFFC0] =	vst v62;
	v3 =	vld.idx.msk [tilespmem:v5+s24+$0x0], $0xffff  }
0xe9: {  	s12 =	sadd.s32 s5, s12;
	s11 =	sand.u32 $0x60, s15;
	v5 =	vld.idx.msk [tilespmem:v6+s24+$0x0], $0xffff;
	[tilespmem:s14+$0x30] =	vst v8  }
0xea: {  	s6 =	simm.s32 $0x0;
	s0 =	simm.s32 $0xC0;
	s10 =	sor.u32 $0x10, s11;
	v4 =	vld.idx.msk [tilespmem:v7+s24+$0x0], $0xffff;
	[tilespmem:s14+$0xFFFFFFD0] =	vst v63  }
.LBB2_7:
0xeb: {  	v6 =	vld [tilespmem:s0+$0x30];
	s6 =	sadd.s32 $0x80, s6;
	[tilespmem:s14+$0xFFFFFFE0] =	vst v0  }
0xec: {  	v0 =	vld [tilespmem:s0+$0xFFFFFFD0];
	p0 =	slt.u32 s6, $0xF80;
	[tilespmem:s14+$0xFFFFFFF0] =	vst v1  }
0xed: {  	v1 =	vld [tilespmem:s0+$0xFFFFFFE0];
	[tilespmem:s14+$0x0] =	vst v2  }
0xee: {  	v2 =	vld [tilespmem:s0+$0xFFFFFFF0];
	[tilespmem:s14+$0x10] =	vst v3  }
0xef: {  	v3 =	vld [tilespmem:s0+$0x0];
	[tilespmem:s14+$0x20] =	vst v5  }
0xf0: {  	v5 =	vld [tilespmem:s0+$0x10];
	[tilespmem:s14+$0xFFFFFFC0] =	vst v4  }
0xf1: {  	v4 =	vld [tilespmem:s0+$0x20]  }
0xf2: {  	v7 =	vld [tilespmem:s0+$0xFFFFFFC0]  }
0xf3: {  	v8 =	vld.idx.msk [tilespmem:v6+s23+$0x0], $0xffff  }
0xf4: {  	v9 =	vld.idx.msk [tilespmem:v0+s23+$0x0], $0xffff  }
0xf5: {  	v10 =	vld.idx.msk [tilespmem:v1+s23+$0x0], $0xffff  }
0xf6: {  	v11 =	vld.idx.msk [tilespmem:v2+s23+$0x0], $0xffff  }
0xf7: {  	v12 =	vld.idx.msk [tilespmem:v3+s23+$0x0], $0xffff  }
0xf8: {  	s13 =	sadd.s32 $0x80, s13;
	v13 =	vld.idx.msk [tilespmem:v5+s23+$0x0], $0xffff  }
0xf9: {  	v14 =	vld.idx.msk [tilespmem:v4+s23+$0x0], $0xffff;
	[tilespmem:s13+$0x30] =	vst v8  }
0xfa: {  	[tilespmem:s13+$0xFFFFFFD0] =	vst v9;
	v6 =	vld.idx.msk [tilespmem:v6+s24+$0x0], $0xffff  }
0xfb: {  	v8 =	vld.idx.msk [tilespmem:v7+s23+$0x0], $0xffff;
	[tilespmem:s13+$0xFFFFFFE0] =	vst v10  }
0xfc: {  	v9 =	vld.idx.msk [tilespmem:v0+s24+$0x0], $0xffff;
	[tilespmem:s13+$0xFFFFFFF0] =	vst v11  }
0xfd: {  	v0 =	vld.idx.msk [tilespmem:v1+s24+$0x0], $0xffff;
	[tilespmem:s13+$0x0] =	vst v12  }
.Ltmp2:
0xfe: {  	v1 =	vld.idx.msk [tilespmem:v2+s24+$0x0], $0xffff;
	[tilespmem:s13+$0x10] =	vst v13;
	(pc) =	sbr.rel @p0 .LBB2_7-.Ltmp2, $4  }
0xff: {  	s14 =	sadd.s32 $0x80, s14;
	v2 =	vld.idx.msk [tilespmem:v3+s24+$0x0], $0xffff;
	[tilespmem:s13+$0x20] =	vst v14  }
0x100: {  	v3 =	vld.idx.msk [tilespmem:v5+s24+$0x0], $0xffff;
	[tilespmem:s14+$0x30] =	vst v6  }
0x101: {  	[tilespmem:s13+$0xFFFFFFC0] =	vst v8;
	v5 =	vld.idx.msk [tilespmem:v4+s24+$0x0], $0xffff  }
0x102: {  	s0 =	sadd.s32 $0x80, s0;
	v4 =	vld.idx.msk [tilespmem:v7+s24+$0x0], $0xffff;
	[tilespmem:s14+$0xFFFFFFD0] =	vst v9  }
0x103: {  	[tilespmem:s14+$0xFFFFFFE0] =	vst v0  }
0x104: {  	[tilespmem:s14+$0xFFFFFFF0] =	vst v1  }
0x105: {  	[tilespmem:s14+$0x0] =	vst v2  }
0x106: {  	s0 =	sshll.u32 s12, $0x9;
	[tilespmem:s14+$0x10] =	vst v3  }
.Ltmp3:
0x107: {  	s6 =	sadd.s32 s3, s11;
	s0 =	sand.u32 $0xFFFF000, s0;
	[tilespmem:s14+$0x20] =	vst v5;
	(pc) =	sbr.rel @p1 .LBB2_10-.Ltmp3, $4  }
0x108: {  	s15 =	sadd.s32 s3, s10;
	s6 =	sadd.s32 s0, s6;
	[tilespmem:s14+$0xFFFFFFC0] =	vst v4  }
0x109: {  	[hbm4b:s6+s16] =	stream.strided.scatter [tilespmem:s8], [sflag:$0xB], $0x1000, s17, s16, $0x38;
	[tilespmem:$0x1F000] =	vst v63  }
0x10a: {  	s0 =	sadd.s32 s0, s15  }
0x10b: {  	[hbm4b:s0+s16] =	stream.strided.scatter [tilespmem:s9], [sflag:$0xC], $0x1000, s17, s16, $0x38;
	[tilespmem:$0x1F000] =	vst v63  }
0x10c: {  	s0 =	sadd.s32 $0x6, s12  }
0x10d: {  	s6 =	sshll.u32 s0, $0x4  }
0x10e: {  	s0 =	sshll.u32 s0, $0xB;
	s6 =	sand.u32 $0x60, s6  }
0x10f: {  	s0 =	sand.u32 $0xFFFC000, s0;
	s6 =	sadd.s32 s1, s6  }
0x110: {  	s14 =	sadd.s32 $0x7, s12;
	s0 =	sadd.s32 s0, s6  }
0x111: {  	[tilespmem:s23], [sflag:$0x5] =	stream.strided.gather [hbm4b:s0+s16], $0x4000, s17, s16, $0x38;
	[tilespmem:$0x1F000] =	vst v63  }
.Ltmp4:
0x112: {  	s15 =	sshll.u32 s14, $0x4;
	(pc) =	sbr.rel .LBB2_2-.Ltmp4, $4  }
0x113: {  	s6 =	sand.u32 $0x70, s15;
	s0 =	sshll.u32 s14, $0xB  }
0x114: {  	s6 =	sadd.s32 s1, s6;
	s0 =	sand.u32 $0xFFFC000, s0  }
0x115: {  	s18 =	sadd.s32 $0x1, s18;
	s0 =	sadd.s32 s0, s6  }
0x116: {  	[tilespmem:s24], [sflag:$0x6] =	stream.strided.gather [hbm4b:s0+s16], $0x4000, s17, s16, $0x38;
	[tilespmem:$0x1F000] =	vst v63  }
.LBB2_10:
0x117: {  	_ =	swait.ge [sflag:s25], $0x4000  }
0x118: {  	[sflag:s25] =	ssyncset.done $0x0  }
0x119: {  	s11 =	simm.s32 $0x7;
	[sflag:s25] =	ssyncadd.s32 $0xFFFFC000  }
0x11a: {  	_ =	swait.ge [sflag:s11], $0x1000  }
0x11b: {  	[sflag:s11] =	ssyncset.done $0x0  }
0x11c: {  	s0 =	simm.s32 $0x40;
	[sflag:s11] =	ssyncadd.s32 $0xFFFFF000  }
0x11d: {  	v0 =	vld [tilespmem:s0+$0x30]  }
0x11e: {  	v1 =	vld [tilespmem:s0+$0xFFFFFFD0]  }
0x11f: {  	v2 =	vld [tilespmem:s0+$0xFFFFFFE0]  }
0x120: {  	v3 =	vld [tilespmem:s0+$0xFFFFFFF0]  }
0x121: {  	v4 =	vld [tilespmem:s0+$0x0]  }
0x122: {  	v6 =	vld [tilespmem:s0+$0x10]  }
0x123: {  	v7 =	vld [tilespmem:s0+$0x20]  }
0x124: {  	v8 =	vld [tilespmem:s0+$0xFFFFFFC0]  }
0x125: {  	v9 =	vld.idx.msk [tilespmem:v0+s19+$0x0], $0xffff  }
0x126: {  	v10 =	vld.idx.msk [tilespmem:v1+s19+$0x0], $0xffff  }
0x127: {  	v5 =	vld.idx.msk [tilespmem:v2+s19+$0x0], $0xffff  }
0x128: {  	v3 =	vld.idx.msk [tilespmem:v3+s19+$0x0], $0xffff  }
0x129: {  	v0 =	vld.idx.msk [tilespmem:v4+s19+$0x0], $0xffff  }
0x12a: {  	s0 =	simm.s32 $0x19040;
	v1 =	vld.idx.msk [tilespmem:v6+s19+$0x0], $0xffff  }
0x12b: {  	v2 =	vld.idx.msk [tilespmem:v7+s19+$0x0], $0xffff;
	[tilespmem:s0+$0x30] =	vst v9  }
0x12c: {  	s6 =	simm.s32 $0x0;
	s10 =	simm.s32 $0xC0;
	v4 =	vld.idx.msk [tilespmem:v8+s19+$0x0], $0xffff;
	[tilespmem:s0+$0xFFFFFFD0] =	vst v10  }
.LBB2_11:
0x12d: {  	v6 =	vld [tilespmem:s10+$0x30];
	s6 =	sadd.s32 $0x80, s6;
	[tilespmem:s0+$0xFFFFFFE0] =	vst v5  }
0x12e: {  	v5 =	vld [tilespmem:s10+$0xFFFFFFD0];
	p0 =	slt.u32 s6, $0xF80;
	[tilespmem:s0+$0xFFFFFFF0] =	vst v3  }
0x12f: {  	v3 =	vld [tilespmem:s10+$0xFFFFFFE0];
	[tilespmem:s0+$0x0] =	vst v0  }
0x130: {  	v0 =	vld [tilespmem:s10+$0xFFFFFFF0];
	[tilespmem:s0+$0x10] =	vst v1  }
0x131: {  	v1 =	vld [tilespmem:s10+$0x0];
	[tilespmem:s0+$0x20] =	vst v2  }
0x132: {  	v2 =	vld [tilespmem:s10+$0x10];
	[tilespmem:s0+$0xFFFFFFC0] =	vst v4  }
0x133: {  	v4 =	vld [tilespmem:s10+$0x20]  }
0x134: {  	v7 =	vld [tilespmem:s10+$0xFFFFFFC0]  }
0x135: {  	v6 =	vld.idx.msk [tilespmem:v6+s19+$0x0], $0xffff  }
0x136: {  	v8 =	vld.idx.msk [tilespmem:v5+s19+$0x0], $0xffff  }
0x137: {  	v5 =	vld.idx.msk [tilespmem:v3+s19+$0x0], $0xffff  }
.Ltmp5:
0x138: {  	v3 =	vld.idx.msk [tilespmem:v0+s19+$0x0], $0xffff;
	(pc) =	sbr.rel @p0 .LBB2_11-.Ltmp5, $4  }
0x139: {  	v0 =	vld.idx.msk [tilespmem:v1+s19+$0x0], $0xffff  }
0x13a: {  	s0 =	sadd.s32 $0x80, s0;
	v1 =	vld.idx.msk [tilespmem:v2+s19+$0x0], $0xffff  }
0x13b: {  	v2 =	vld.idx.msk [tilespmem:v4+s19+$0x0], $0xffff;
	[tilespmem:s0+$0x30] =	vst v6  }
0x13c: {  	s10 =	sadd.s32 $0x80, s10;
	v4 =	vld.idx.msk [tilespmem:v7+s19+$0x0], $0xffff;
	[tilespmem:s0+$0xFFFFFFD0] =	vst v8  }
0x13d: {  	[tilespmem:s0+$0xFFFFFFE0] =	vst v5  }
0x13e: {  	[tilespmem:s0+$0xFFFFFFF0] =	vst v3  }
0x13f: {  	[tilespmem:s0+$0x0] =	vst v0  }
0x140: {  	[tilespmem:s0+$0x10] =	vst v1  }
0x141: {  	[tilespmem:s0+$0x20] =	vst v2  }
0x142: {  	[tilespmem:s0+$0xFFFFFFC0] =	vst v4  }
0x143: {  	s0 =	rddreg [dreg:$0xb]  }
0x144: {  	[hbm4b:s0+s16] =	stream.strided.scatter [tilespmem:s28], [sflag:$0x7], $0x1000, s17, s16, $0x38;
	[tilespmem:$0x1F000] =	vst v63  }
0x145: {  	_ =	swait.ge [sflag:s26], $0x4000  }
0x146: {  	[sflag:s26] =	ssyncset.done $0x0  }
0x147: {  	s12 =	simm.s32 $0x8;
	[sflag:s26] =	ssyncadd.s32 $0xFFFFC000  }
0x148: {  	_ =	swait.ge [sflag:s12], $0x1000  }
0x149: {  	[sflag:s12] =	ssyncset.done $0x0  }
0x14a: {  	s18 =	simm.s32 $0x40;
	[sflag:s12] =	ssyncadd.s32 $0xFFFFF000  }
0x14b: {  	v0 =	vld [tilespmem:s18+$0x30]  }
0x14c: {  	v1 =	vld [tilespmem:s18+$0xFFFFFFD0]  }
0x14d: {  	v2 =	vld [tilespmem:s18+$0xFFFFFFE0]  }
0x14e: {  	v3 =	vld [tilespmem:s18+$0xFFFFFFF0]  }
0x14f: {  	v4 =	vld [tilespmem:s18+$0x0]  }
0x150: {  	v6 =	vld [tilespmem:s18+$0x10]  }
0x151: {  	v7 =	vld [tilespmem:s18+$0x20]  }
0x152: {  	v8 =	vld [tilespmem:s18+$0xFFFFFFC0]  }
0x153: {  	v9 =	vld.idx.msk [tilespmem:v0+s20+$0x0], $0xffff  }
0x154: {  	v10 =	vld.idx.msk [tilespmem:v1+s20+$0x0], $0xffff  }
0x155: {  	v5 =	vld.idx.msk [tilespmem:v2+s20+$0x0], $0xffff  }
0x156: {  	v3 =	vld.idx.msk [tilespmem:v3+s20+$0x0], $0xffff  }
0x157: {  	v0 =	vld.idx.msk [tilespmem:v4+s20+$0x0], $0xffff  }
0x158: {  	s0 =	simm.s32 $0x1A040;
	v1 =	vld.idx.msk [tilespmem:v6+s20+$0x0], $0xffff  }
0x159: {  	v2 =	vld.idx.msk [tilespmem:v7+s20+$0x0], $0xffff;
	[tilespmem:s0+$0x30] =	vst v9  }
0x15a: {  	s6 =	simm.s32 $0x0;
	s10 =	simm.s32 $0xC0;
	v4 =	vld.idx.msk [tilespmem:v8+s20+$0x0], $0xffff;
	[tilespmem:s0+$0xFFFFFFD0] =	vst v10  }
.LBB2_13:
0x15b: {  	v6 =	vld [tilespmem:s10+$0x30];
	s6 =	sadd.s32 $0x80, s6;
	[tilespmem:s0+$0xFFFFFFE0] =	vst v5  }
0x15c: {  	v5 =	vld [tilespmem:s10+$0xFFFFFFD0];
	p0 =	slt.u32 s6, $0xF80;
	[tilespmem:s0+$0xFFFFFFF0] =	vst v3  }
0x15d: {  	v3 =	vld [tilespmem:s10+$0xFFFFFFE0];
	[tilespmem:s0+$0x0] =	vst v0  }
0x15e: {  	v0 =	vld [tilespmem:s10+$0xFFFFFFF0];
	[tilespmem:s0+$0x10] =	vst v1  }
0x15f: {  	v1 =	vld [tilespmem:s10+$0x0];
	[tilespmem:s0+$0x20] =	vst v2  }
0x160: {  	v2 =	vld [tilespmem:s10+$0x10];
	[tilespmem:s0+$0xFFFFFFC0] =	vst v4  }
0x161: {  	v4 =	vld [tilespmem:s10+$0x20]  }
0x162: {  	v7 =	vld [tilespmem:s10+$0xFFFFFFC0]  }
0x163: {  	v6 =	vld.idx.msk [tilespmem:v6+s20+$0x0], $0xffff  }
0x164: {  	v8 =	vld.idx.msk [tilespmem:v5+s20+$0x0], $0xffff  }
0x165: {  	v5 =	vld.idx.msk [tilespmem:v3+s20+$0x0], $0xffff  }
.Ltmp6:
0x166: {  	v3 =	vld.idx.msk [tilespmem:v0+s20+$0x0], $0xffff;
	(pc) =	sbr.rel @p0 .LBB2_13-.Ltmp6, $4  }
0x167: {  	v0 =	vld.idx.msk [tilespmem:v1+s20+$0x0], $0xffff  }
0x168: {  	s0 =	sadd.s32 $0x80, s0;
	v1 =	vld.idx.msk [tilespmem:v2+s20+$0x0], $0xffff  }
0x169: {  	v2 =	vld.idx.msk [tilespmem:v4+s20+$0x0], $0xffff;
	[tilespmem:s0+$0x30] =	vst v6  }
0x16a: {  	s10 =	sadd.s32 $0x80, s10;
	v4 =	vld.idx.msk [tilespmem:v7+s20+$0x0], $0xffff;
	[tilespmem:s0+$0xFFFFFFD0] =	vst v8  }
0x16b: {  	[tilespmem:s0+$0xFFFFFFE0] =	vst v5  }
0x16c: {  	[tilespmem:s0+$0xFFFFFFF0] =	vst v3  }
0x16d: {  	[tilespmem:s0+$0x0] =	vst v0  }
0x16e: {  	[tilespmem:s0+$0x10] =	vst v1  }
0x16f: {  	[tilespmem:s0+$0x20] =	vst v2  }
0x170: {  	[tilespmem:s0+$0xFFFFFFC0] =	vst v4  }
0x171: {  	s10 =	simm.s32 $0x9;
	s0 =	rddreg [dreg:$0xc]  }
0x172: {  	[hbm4b:s0+s16] =	stream.strided.scatter [tilespmem:s29], [sflag:$0x8], $0x1000, s17, s16, $0x38;
	[tilespmem:$0x1F000] =	vst v63  }
0x173: {  	_ =	swait.ge [sflag:s10], $0x1000  }
0x174: {  	[sflag:s10] =	ssyncset.done $0x0  }
0x175: {  	s13 =	simm.s32 $0xA;
	[sflag:s10] =	ssyncadd.s32 $0xFFFFF000  }
0x176: {  	_ =	swait.ge [sflag:s13], $0x1000  }
0x177: {  	[sflag:s13] =	ssyncset.done $0x0  }
0x178: {  	s14 =	simm.s32 $0xB;
	[sflag:s13] =	ssyncadd.s32 $0xFFFFF000  }
0x179: {  	_ =	swait.ge [sflag:s14], $0x1000  }
0x17a: {  	[sflag:s14] =	ssyncset.done $0x0  }
0x17b: {  	s15 =	simm.s32 $0xC;
	[sflag:s14] =	ssyncadd.s32 $0xFFFFF000  }
0x17c: {  	_ =	swait.ge [sflag:s15], $0x1000  }
0x17d: {  	[sflag:s15] =	ssyncset.done $0x0  }
0x17e: {  	[sflag:s15] =	ssyncadd.s32 $0xFFFFF000  }
0x17f: {  	_ =	swait.ge [sflag:s11], $0x1000  }
0x180: {  	[sflag:s11] =	ssyncset.done $0x0  }
0x181: {  	[sflag:s11] =	ssyncadd.s32 $0xFFFFF000  }
0x182: {  	_ =	swait.ge [sflag:s12], $0x1000  }
0x183: {  	s6 =	rddreg [dreg:$0xe]  }
0x184: {  	s18 =	rddreg [dreg:$0xd];
	s6 =	sadd.s32 $0x1, s6  }
0x185: {  	p0 =	sne.s32 s6, s18  }
.Ltmp7:
0x186: {  	_ = 	snop;
	(pc) =	sbr.rel @p0 .LBB2_1-.Ltmp7, $3  }
0x187: {  	_ =	sdelay $0x1  }
0x188: {  	[sflag:s12] =	ssyncset.done $0x0  }
0x189: {  	[sflag:s12] =	ssyncadd.s32 $0xFFFFF000  }
0x18a: {  	_ =	sfence.sel $0x180000  }
0x18b: {  	[bflag:$0x0] =	sbarrier.arrive $0xFFFF  }
0x18c: {  	_ =	strace $0x90000047  }
0x18d: {  	s0 =	stileid.u32;
	[bflag:$0x2] =	sbarrier.arrive $0xFFFF  }
0x18e: {  	p0 =	sne.s32 s0, $0x0;
	s0 =	rddreg [dreg:$0x3]  }
0x18f: {  	s0 =	sadd.s32 @!p0 $0x100000, s0  }
0x190: {  	[sflag:s0] =	ssyncadd.tile.s32 @!p0 $0x1;
	_ =	shalt  }
.Lfunc_end2:
_tile_overlayer_lowered:
.L_overlay_start_2:
0x191: {  	(tag) =	ssettag $0x2  }
0x192: {  	s0 =	rddreg [dreg:$0x0];
	s2 =	stileid.u32  }
0x193: {  	s1 =	rddreg [dreg:$0x1];
	p0 =	sne.s32 s2, $0x0  }
0x194: {  	s3 =	rddreg [dreg:$0x2];
	[bflag:$0x3] =	sbarrier.arrive $0xFFFF;
	s2 =	simm.s32 @!p0 $0x1C0D  }
0x195: {  	[timem:s3], [sflag:s2] =	dma.local @!p0 [hbm:s0], s1  }
0x196: {  	s0 =	simm.s32 @!p0 $0xD  }
0x197: {  	_ =	swait.ge @!p0 [sflag:s0], s1  }
0x198: {  	s1 =	ssub.s32 @!p0 $0x0, s1;
	[sflag:s0] =	ssyncset.done @!p0 $0x0  }
0x199: {  	[sflag:s0] =	ssyncadd.s32 @!p0 s1  }
0x19a: {  	[bflag:$0x3] =	sbarrier.arrive $0xFFFF  }
0x19b: {  	_ =	shalt  }

</sc_bundles>
